<compile_context>
chip_gen: v7x
topology: tpu7x:2x2x1
jax: 0.10.2.dev20260603
libtpu: 0.0.44.dev20260713+nightly
codegen_flags: <defaults>
</compile_context>

<pallas_src>
import functools

import jax
import jax.numpy as jnp
from jax import lax
from jax.experimental import pallas as pl
from jax.experimental.pallas import tpu as pltpu
from jax.experimental.pallas import tpu_sc as plsc

N_CLIQUE = 50000
N_ATOM = 100000
E = 1600000
PE_DIM = 16
H = 64

NC = 2
NS = 16
NW = NC * NS
B = 125
CH = 400
NSUP = 4
S = CH // NSUP
N_PAD = 51200
ROWS_PER_TILE = N_PAD // NS

_mesh = plsc.VectorSubcoreMesh(core_axis_name="c", subcore_axis_name="s")


@functools.partial(
    pl.kernel,
    out_type=(
        jax.ShapeDtypeStruct((NC, N_PAD, PE_DIM), jnp.float32),
        jax.ShapeDtypeStruct((NC, N_PAD), jnp.float32),
    ),
    mesh=_mesh,
    scratch_types=[
        pltpu.VMEM((S, B), jnp.int32),
        pltpu.VMEM((S, B), jnp.int32),
        pltpu.VMEM((8, B, PE_DIM), jnp.float32),
        pltpu.VMEM((128,), jnp.float32),
        pltpu.VMEM((128, PE_DIM), jnp.float32),
        pltpu.VMEM((ROWS_PER_TILE // 2,), jnp.float32),
        pltpu.VMEM_SHARED((N_PAD, PE_DIM), jnp.float32),
        pltpu.VMEM_SHARED((N_PAD,), jnp.float32),
        pltpu.SemaphoreType.DMA,
        pltpu.SemaphoreType.DMA,
        pltpu.SemaphoreType.DMA,
    ],
    compiler_params=pltpu.CompilerParams(use_tc_tiling_on_sc=False),
)
def _sc_segsum(a2c_hbm, lpe_hbm, acc_out, cnt_out,
               row_v, col_v, vals, ones_v, zb, zbf, acc_sh, cnt_sh,
               gsem, ssem, csem):
    cid = lax.axis_index("c")
    sid = lax.axis_index("s")
    wid = cid * NS + sid

    def _zb_fill(i, _):
        zb[i] = jnp.zeros((PE_DIM,), jnp.float32)
        return 0
    lax.fori_loop(0, 128, _zb_fill, 0)

    def _zbf_fill(i, _):
        zbf[pl.ds(i * 16, 16)] = jnp.zeros((16,), jnp.float32)
        return 0
    lax.fori_loop(0, (ROWS_PER_TILE // 2) // 16, _zbf_fill, 0)

    def _ones_fill(i, _):
        ones_v[pl.ds(i * 16, 16)] = jnp.ones((16,), jnp.float32)
        return 0
    lax.fori_loop(0, 128 // 16, _ones_fill, 0)

    base = sid * ROWS_PER_TILE

    def _zacc(k, _):
        pltpu.sync_copy(zb, acc_sh.at[pl.ds(base + k * 128, 128)])
        return 0
    lax.fori_loop(0, ROWS_PER_TILE // 128, _zacc, 0)
    pltpu.sync_copy(zbf, cnt_sh.at[pl.ds(base, ROWS_PER_TILE // 2)])
    pltpu.sync_copy(zbf, cnt_sh.at[pl.ds(base + ROWS_PER_TILE // 2,
                                         ROWS_PER_TILE // 2)])

    plsc.subcore_barrier()

    ones_b = ones_v.at[pl.ds(0, B)]

    def _sup(p, _):
        pltpu.sync_copy(a2c_hbm.at[0, wid, pl.ds(p * S, S)], row_v)
        pltpu.sync_copy(a2c_hbm.at[1, wid, pl.ds(p * S, S)], col_v)

        for k in range(7):
            pltpu.async_copy(lpe_hbm.at[row_v.at[k]], vals.at[k], gsem)

        def _body(j, _):
            pltpu.make_async_copy(lpe_hbm.at[row_v.at[j]], vals.at[j % 8],
                                  gsem).wait()
            pltpu.async_copy(vals.at[j % 8], acc_sh.at[col_v.at[j]], ssem,
                             add=True)
            pltpu.async_copy(ones_b, cnt_sh.at[col_v.at[j]], csem, add=True)

            @pl.when(j >= 5)
            def _drain():
                pltpu.make_async_copy(vals.at[(j - 5) % 8],
                                      acc_sh.at[col_v.at[j - 5]], ssem).wait()
                pltpu.make_async_copy(ones_b, cnt_sh.at[col_v.at[j - 5]],
                                      csem).wait()

            @pl.when(j + 7 < S)
            def _fire():
                pltpu.async_copy(lpe_hbm.at[row_v.at[j + 7]],
                                 vals.at[(j + 7) % 8], gsem)
            return 0
        lax.fori_loop(0, S, _body, 0)

        def _tail(j, _):
            pltpu.make_async_copy(vals.at[j % 8],
                                  acc_sh.at[col_v.at[j]], ssem).wait()
            pltpu.make_async_copy(ones_b, cnt_sh.at[col_v.at[j]], csem).wait()
            return 0
        lax.fori_loop(S - 5, S, _tail, 0)
        return 0
    lax.fori_loop(0, NSUP, _sup, 0)

    plsc.subcore_barrier()

    pltpu.sync_copy(acc_sh.at[pl.ds(base, ROWS_PER_TILE)],
                    acc_out.at[cid, pl.ds(base, ROWS_PER_TILE)])
    pltpu.sync_copy(cnt_sh.at[pl.ds(base, ROWS_PER_TILE)],
                    cnt_out.at[cid, pl.ds(base, ROWS_PER_TILE)])


BLK = 1024
GRID = (N_CLIQUE + BLK - 1) // BLK
N_DEG = 100


def _tc_pre_body(x_ref, deg_ref, tlpe_ref,
                 demb_ref, dlw_ref, dlb_ref, dmw_ref, dmb_ref,
                 tlw_ref, tlb_ref, out_ref):
    table = jnp.dot(demb_ref[...], dlw_ref[...],
                    preferred_element_type=jnp.float32) + dlb_ref[...]
    d = deg_ref[...]
    oh = (d == lax.broadcasted_iota(jnp.int32, (BLK, N_DEG), 1)
          ).astype(jnp.float32)
    deg = jnp.dot(oh, table, preferred_element_type=jnp.float32)
    deg = jnp.maximum(deg, 0.0)
    xc = x_ref[...] + deg
    xc = jnp.dot(xc, dmw_ref[...],
                 preferred_element_type=jnp.float32) + dmb_ref[...]

    tp = tlpe_ref[...]
    tp = jnp.where(jnp.isnan(tp), 0.0, tp)
    tp = jnp.dot(tp, tlw_ref[...],
                 preferred_element_type=jnp.float32) + tlb_ref[...]

    out_ref[...] = xc + jnp.concatenate(
        [jnp.zeros((BLK, H // 2), jnp.float32), tp], axis=-1)


def _tc_post_body(part_ref, acc0_ref, acc1_ref, cnt_ref,
                  lw_ref, lb_ref, out_ref):
    seg = acc0_ref[0] + acc1_ref[0]
    c = jnp.sum(cnt_ref[...], axis=1, keepdims=True)
    seg = seg / jnp.maximum(c, 1.0)
    pm = jnp.dot(seg, lw_ref[...], preferred_element_type=jnp.float32)
    pm = pm + jnp.where(c > 0.0, 1.0, 0.0) * lb_ref[...]
    out_ref[...] = part_ref[...] + jnp.concatenate(
        [pm, jnp.zeros((BLK, H // 2), jnp.float32)], axis=-1)


def _row_spec(w):
    return pl.BlockSpec((BLK, w), lambda i: (i, 0))


def _acc_spec(core, w):
    return pl.BlockSpec((1, BLK, w), lambda i, _c=core: (_c, i, 0))


def _full_spec(r, c):
    return pl.BlockSpec((r, c), lambda i: (0, 0))


_tc_pre = pl.pallas_call(
    _tc_pre_body,
    grid=(GRID,),
    in_specs=[
        _row_spec(H),
        _row_spec(1),
        _row_spec(PE_DIM),
        _full_spec(N_DEG, H),
        _full_spec(H, H),
        _full_spec(1, H),
        _full_spec(H, H),
        _full_spec(1, H),
        _full_spec(PE_DIM, H // 2),
        _full_spec(1, H // 2),
    ],
    out_specs=_row_spec(H),
    out_shape=jax.ShapeDtypeStruct((N_CLIQUE, H), jnp.float32),
)

_tc_post = pl.pallas_call(
    _tc_post_body,
    grid=(GRID,),
    in_specs=[
        _row_spec(H),
        _acc_spec(0, PE_DIM),
        _acc_spec(1, PE_DIM),
        _row_spec(NC),
        _full_spec(PE_DIM, H // 2),
        _full_spec(1, H // 2),
    ],
    out_specs=_row_spec(H),
    out_shape=jax.ShapeDtypeStruct((N_CLIQUE, H), jnp.float32),
    input_output_aliases={0: 0},
)


def kernel(x_clique, tree_degree, tree_lpe, graph_lpe, atom2clique_index,
           deg_emb, deg_lin_w, deg_lin_b, deg_merge_w, deg_merge_b,
           tree_lpe_w, tree_lpe_b, lpe_w, lpe_b):
    a2c = atom2clique_index.astype(jnp.int32).reshape(2, NW, CH, B)
    acc, cnt = _sc_segsum(a2c, graph_lpe)

    deg2 = tree_degree.astype(jnp.int32).reshape(N_CLIQUE, 1)
    cnt_t = cnt.T

    part = _tc_pre(
        x_clique, deg2, tree_lpe,
        deg_emb,
        deg_lin_w, deg_lin_b.reshape(1, H),
        deg_merge_w, deg_merge_b.reshape(1, H),
        tree_lpe_w, tree_lpe_b.reshape(1, H // 2),
    )
    return _tc_post(
        part, acc, acc, cnt_t,
        lpe_w, lpe_b.reshape(1, H // 2),
    )

# --- scband reference (transcript-rebuilt; emitter-appended) ---
"""Pipeline reference for scband-positional-encoding-35553739276819 (READ-ONLY COPY).

The authoritative reference and input builder live on the scoring server;
editing this copy changes nothing except your own understanding.
"""

import jax, jax.numpy as jnp
import numpy as np

N_CLIQUE = 50000
N_ATOM = 100000
E = 1600000
PE_DIM = 16
H = 64


def setup_inputs(seed: int = 0) -> dict:
    key = jax.random.key(seed)
    ks = jax.random.split(key, 16)
    inp = {}
    inp['x_clique'] = jax.random.normal(ks[0], (N_CLIQUE, H), dtype=jnp.float32)
    inp['tree_degree'] = jax.random.randint(ks[1], (N_CLIQUE,), 0, 100, dtype=jnp.int64) if jax.config.jax_enable_x64 else jax.random.randint(ks[1], (N_CLIQUE,), 0, 100, dtype=jnp.int32)
    inp['tree_lpe'] = jax.random.normal(ks[2], (N_CLIQUE, PE_DIM), dtype=jnp.float32)
    inp['graph_lpe'] = jax.random.normal(ks[3], (N_ATOM, PE_DIM), dtype=jnp.float32)
    inp['atom2clique_index'] = jax.random.randint(ks[4], (2, E), 0, N_CLIQUE, dtype=jnp.int32)
    # learned parameters
    inp['deg_emb'] = jax.random.normal(ks[5], (100, H), dtype=jnp.float32) * 0.05
    inp['deg_lin_w'] = jax.random.normal(ks[6], (H, H), dtype=jnp.float32) * (1.0 / np.sqrt(H))
    inp['deg_lin_b'] = jnp.zeros((H,), dtype=jnp.float32)
    inp['deg_merge_w'] = jax.random.normal(ks[7], (H, H), dtype=jnp.float32) * (1.0 / np.sqrt(H))
    inp['deg_merge_b'] = jnp.zeros((H,), dtype=jnp.float32)
    inp['tree_lpe_w'] = jax.random.normal(ks[8], (PE_DIM, H // 2), dtype=jnp.float32) * (1.0 / np.sqrt(PE_DIM))
    inp['tree_lpe_b'] = jnp.zeros((H // 2,), dtype=jnp.float32)
    inp['lpe_w'] = jax.random.normal(ks[9], (PE_DIM, H // 2), dtype=jnp.float32) * (1.0 / np.sqrt(PE_DIM))
    inp['lpe_b'] = jnp.zeros((H // 2,), dtype=jnp.float32)
    return inp


def reference(x_clique, tree_degree, tree_lpe, graph_lpe, atom2clique_index,
              deg_emb, deg_lin_w, deg_lin_b, deg_merge_w, deg_merge_b,
              tree_lpe_w, tree_lpe_b, lpe_w, lpe_b):
    n_clique = x_clique.shape[0]
    # degree embedding branch
    deg = jnp.take(deg_emb, tree_degree, axis=0)
    deg = deg @ deg_lin_w + deg_lin_b
    deg = jax.nn.relu(deg)
    xc = x_clique + deg
    xc = xc @ deg_merge_w + deg_merge_b
    # positional encodings, NaN -> 0
    pe = graph_lpe.astype(jnp.float32)
    tree_pe = tree_lpe.astype(jnp.float32)
    pe = jnp.where(jnp.isnan(pe), 0.0, pe)
    tree_pe = jnp.where(jnp.isnan(tree_pe), 0.0, tree_pe)
    tree_pe = tree_pe @ tree_lpe_w + tree_lpe_b
    pe = pe @ lpe_w + lpe_b
    # scatter-mean pe[row] into cliques by col
    row = atom2clique_index[0]
    col = atom2clique_index[1]
    gathered = jnp.take(pe, row, axis=0)
    summed = jax.ops.segment_sum(gathered, col, num_segments=n_clique)
    counts = jax.ops.segment_sum(jnp.ones((row.shape[0],), dtype=jnp.float32), col, num_segments=n_clique)
    pe_mean = summed / jnp.maximum(counts, 1.0)[:, None]
    out = xc + jnp.concatenate([pe_mean, tree_pe], axis=-1)
    return out

if __name__ == "__main__":
    import jax
    _d = setup_inputs()
    print(jax.jit(kernel)(*tuple(_d.values())))

</pallas_src>

<mosaic_0001>
#map = affine_map<(d0, d1) -> (0, 0, 0, 0)>
#map1 = affine_map<(d0, d1) -> (0, 0)>
#map2 = affine_map<(d0, d1) -> (0, 0, 0)>
module attributes {stable_mosaic.version = 14 : i64} {
  func.func @_sc_segsum(%arg0: i32, %arg1: i32, %arg2: memref<2x32x400x125xi32, #tpu.memory_space<hbm>>, %arg3: memref<100000x16xf32, #tpu.memory_space<hbm>>, %arg4: memref<2x51200x16xf32, #tpu.memory_space<hbm>>, %arg5: memref<2x51200xf32, #tpu.memory_space<hbm>>, %arg6: memref<100x125xi32, #tpu.memory_space<vmem>>, %arg7: memref<100x125xi32, #tpu.memory_space<vmem>>, %arg8: memref<8x125x16xf32, #tpu.memory_space<vmem>>, %arg9: memref<128xf32, #tpu.memory_space<vmem>>, %arg10: memref<128x16xf32, #tpu.memory_space<vmem>>, %arg11: memref<1600xf32, #tpu.memory_space<vmem>>, %arg12: memref<51200x16xf32, #tpu.memory_space<vmem_shared>>, %arg13: memref<51200xf32, #tpu.memory_space<vmem_shared>>, %arg14: memref<!tpu.dma_semaphore, #tpu.memory_space<semaphore_mem>>, %arg15: memref<!tpu.dma_semaphore, #tpu.memory_space<semaphore_mem>>, %arg16: memref<!tpu.dma_semaphore, #tpu.memory_space<semaphore_mem>>) attributes {dimension_semantics = [#tpu.dimension_semantics<core_parallel>, #tpu.dimension_semantics<subcore_parallel>], iteration_bounds = array<i64: 2, 16>, scalar_prefetch = 0 : i64, scratch_operands = 11 : i64, tpu.core_type = #tpu.core_type<sc_vector_subcore>, window_params = [{transform_indices = #map}, {transform_indices = #map1}, {transform_indices = #map2}, {transform_indices = #map1}]} {
    %mul3A = arith.constant 16 : i32
    %mul3A_0 = arith.muli %arg0, %mul3A : i32
    %add3A = arith.addi %mul3A_0, %arg1 : i32
    %scan3A = arith.constant 0 : i32
    %scan3A_1 = arith.constant 0 : i32
    %scan3A_2 = arith.constant 128 : i32
    %scan3A_3 = arith.addi %scan3A_1, %scan3A_2 : i32
    %scan3A_4 = arith.constant 1 : i32
    %scan3A_5 = scf.for %scan3A_40 = %scan3A_1 to %scan3A_3 step %scan3A_4 iter_args(%scan3A_41 = %scan3A) -> (i32)  : i32 {
      %broadcast_in_dim3A = arith.constant 0.000000e+00 : f32
      %broadcast_in_dim3A_42 = vector.broadcast %broadcast_in_dim3A : f32 to vector<16xf32>
      %swap3A = arith.index_cast %scan3A_40 : i32 to index
      %swap3A_43 = arith.constant 0 : index
      %swap3A_44 = tpu.vector_load %arg10[%swap3A, %swap3A_43] {strides = array<i32>} : memref<128x16xf32, #tpu.memory_space<vmem>>, vector<1x16xf32>,
      %swap3A_45 = vector.shape_cast %swap3A_44 : vector<1x16xf32> to vector<16xf32>
      %swap3A_46 = vector.shape_cast %broadcast_in_dim3A_42 : vector<16xf32> to vector<1x16xf32>
      tpu.vector_store %arg10[%swap3A, %swap3A_43], %swap3A_46 {strides = array<i32>} : memref<128x16xf32, #tpu.memory_space<vmem>>, vector<1x16xf32>,
      %scan3A_47 = arith.constant 0 : i32
      scf.yield %scan3A_47 : i32
    }
    %scan3A_6 = arith.constant 128 : i32
    %scan3A_7 = arith.constant 0 : i32
    %scan3A_8 = arith.constant 0 : i32
    %scan3A_9 = arith.constant 100 : i32
    %scan3A_10 = arith.addi %scan3A_8, %scan3A_9 : i32
    %scan3A_11 = arith.constant 1 : i32
    %scan3A_12 = scf.for %scan3A_40 = %scan3A_8 to %scan3A_10 step %scan3A_11 iter_args(%scan3A_41 = %scan3A_7) -> (i32)  : i32 {
      %broadcast_in_dim3A = arith.constant 0.000000e+00 : f32
      %broadcast_in_dim3A_42 = vector.broadcast %broadcast_in_dim3A : f32 to vector<16xf32>
      %mul3A_43 = arith.constant 16 : i32
      %mul3A_44 = arith.muli %scan3A_40, %mul3A_43 : i32
      %swap3A = arith.index_cast %mul3A_44 : i32 to index
      %swap3A_45 = tpu.vector_load %arg11[%swap3A] {strides = array<i32>} : memref<1600xf32, #tpu.memory_space<vmem>>, vector<16xf32>,
      %swap3A_46 = vector.shape_cast %swap3A_45 : vector<16xf32> to vector<16xf32>
      %swap3A_47 = vector.shape_cast %broadcast_in_dim3A_42 : vector<16xf32> to vector<16xf32>
      tpu.vector_store %arg11[%swap3A], %swap3A_47 {strides = array<i32>} : memref<1600xf32, #tpu.memory_space<vmem>>, vector<16xf32>,
      %scan3A_48 = arith.constant 0 : i32
      scf.yield %scan3A_48 : i32
    }
    %scan3A_13 = arith.constant 100 : i32
    %scan3A_14 = arith.constant 0 : i32
    %scan3A_15 = arith.constant 0 : i32
    %scan3A_16 = arith.constant 8 : i32
    %scan3A_17 = arith.addi %scan3A_15, %scan3A_16 : i32
    %scan3A_18 = arith.constant 1 : i32
    %scan3A_19 = scf.for %scan3A_40 = %scan3A_15 to %scan3A_17 step %scan3A_18 iter_args(%scan3A_41 = %scan3A_14) -> (i32)  : i32 {
      %broadcast_in_dim3A = arith.constant 1.000000e+00 : f32
      %broadcast_in_dim3A_42 = vector.broadcast %broadcast_in_dim3A : f32 to vector<16xf32>
      %mul3A_43 = arith.constant 16 : i32
      %mul3A_44 = arith.muli %scan3A_40, %mul3A_43 : i32
      %swap3A = arith.index_cast %mul3A_44 : i32 to index
      %swap3A_45 = tpu.vector_load %arg9[%swap3A] {strides = array<i32>} : memref<128xf32, #tpu.memory_space<vmem>>, vector<16xf32>,
      %swap3A_46 = vector.shape_cast %swap3A_45 : vector<16xf32> to vector<16xf32>
      %swap3A_47 = vector.shape_cast %broadcast_in_dim3A_42 : vector<16xf32> to vector<16xf32>
      tpu.vector_store %arg9[%swap3A], %swap3A_47 {strides = array<i32>} : memref<128xf32, #tpu.memory_space<vmem>>, vector<16xf32>,
      %scan3A_48 = arith.constant 0 : i32
      scf.yield %scan3A_48 : i32
    }
    %scan3A_20 = arith.constant 8 : i32
    %mul3A_21 = arith.constant 3200 : i32
    %mul3A_22 = arith.muli %arg1, %mul3A_21 : i32
    %scan3A_23 = arith.constant 0 : i32
    %scan3A_24 = arith.constant 0 : i32
    %scan3A_25 = arith.constant 25 : i32
    %scan3A_26 = arith.addi %scan3A_24, %scan3A_25 : i32
    %scan3A_27 = arith.constant 1 : i32
    %scan3A_28 = scf.for %scan3A_40 = %scan3A_24 to %scan3A_26 step %scan3A_27 iter_args(%scan3A_41 = %scan3A_23) -> (i32)  : i32 {
      %mul3A_42 = arith.constant 128 : i32
      %mul3A_43 = arith.muli %scan3A_40, %mul3A_42 : i32
      %add3A_44 = arith.addi %mul3A_22, %mul3A_43 : i32
      "tpu.region"() ({
        %run_scoped3A = tpu.sem_alloc : memref<!tpu.dma_semaphore, #tpu.memory_space<semaphore_mem>>
        %dma_start3A = arith.constant 0 : i32
        %dma_start3A_46 = tpu.memref_slice %arg12[%add3A_44, %dma_start3A] : memref<51200x16xf32, #tpu.memory_space<vmem_shared>> -> memref<128x16xf32, #tpu.memory_space<vmem_shared>>
        %dma_start3A_47 = arith.constant 0 : i32
        %dma_start3A_48 = tpu.memref_slice %arg12[%add3A_44, %dma_start3A_47] : memref<51200x16xf32, #tpu.memory_space<vmem_shared>> -> memref<128x16xf32, #tpu.memory_space<vmem_shared>>
        tpu.enqueue_dma source(%arg10 : memref<128x16xf32, #tpu.memory_space<vmem>>) target(%dma_start3A_48 : memref<128x16xf32, #tpu.memory_space<vmem_shared>>) target_semaphore(%run_scoped3A : memref<!tpu.dma_semaphore, #tpu.memory_space<semaphore_mem>>)
        %dma_wait3A = arith.constant 0 : i32
        %dma_wait3A_49 = tpu.memref_slice %arg12[%add3A_44, %dma_wait3A] : memref<51200x16xf32, #tpu.memory_space<vmem_shared>> -> memref<128x16xf32, #tpu.memory_space<vmem_shared>>
        %dma_wait3A_50 = arith.constant 0 : i32
        %dma_wait3A_51 = tpu.memref_slice %arg12[%add3A_44, %dma_wait3A_50] : memref<51200x16xf32, #tpu.memory_space<vmem_shared>> -> memref<128x16xf32, #tpu.memory_space<vmem_shared>>
        tpu.wait_dma2 semaphore(%run_scoped3A : memref<!tpu.dma_semaphore, #tpu.memory_space<semaphore_mem>>) src(%arg10 : memref<128x16xf32, #tpu.memory_space<vmem>>) dst(%dma_wait3A_51 : memref<128x16xf32, #tpu.memory_space<vmem_shared>>)
        tpu.yield
      }) : () -> ()
      %scan3A_45 = arith.constant 0 : i32
      scf.yield %scan3A_45 : i32
    }
    %scan3A_29 = arith.constant 25 : i32
    "tpu.region"() ({
      %run_scoped3A = tpu.sem_alloc : memref<!tpu.dma_semaphore, #tpu.memory_space<semaphore_mem>>
      %dma_start3A = tpu.memref_slice %arg13[%mul3A_22] : memref<51200xf32, #tpu.memory_space<vmem_shared>> -> memref<1600xf32, #tpu.memory_space<vmem_shared>>
      %dma_start3A_40 = tpu.memref_slice %arg13[%mul3A_22] : memref<51200xf32, #tpu.memory_space<vmem_shared>> -> memref<1600xf32, #tpu.memory_space<vmem_shared>>
      tpu.enqueue_dma source(%arg11 : memref<1600xf32, #tpu.memory_space<vmem>>) target(%dma_start3A_40 : memref<1600xf32, #tpu.memory_space<vmem_shared>>) target_semaphore(%run_scoped3A : memref<!tpu.dma_semaphore, #tpu.memory_space<semaphore_mem>>)
      %dma_wait3A = tpu.memref_slice %arg13[%mul3A_22] : memref<51200xf32, #tpu.memory_space<vmem_shared>> -> memref<1600xf32, #tpu.memory_space<vmem_shared>>
      %dma_wait3A_41 = tpu.memref_slice %arg13[%mul3A_22] : memref<51200xf32, #tpu.memory_space<vmem_shared>> -> memref<1600xf32, #tpu.memory_space<vmem_shared>>
      tpu.wait_dma2 semaphore(%run_scoped3A : memref<!tpu.dma_semaphore, #tpu.memory_space<semaphore_mem>>) src(%arg11 : memref<1600xf32, #tpu.memory_space<vmem>>) dst(%dma_wait3A_41 : memref<1600xf32, #tpu.memory_space<vmem_shared>>)
      tpu.yield
    }) : () -> ()
    %add3A_30 = arith.constant 1600 : i32
    %add3A_31 = arith.addi %mul3A_22, %add3A_30 : i32
    "tpu.region"() ({
      %run_scoped3A = tpu.sem_alloc : memref<!tpu.dma_semaphore, #tpu.memory_space<semaphore_mem>>
      %dma_start3A = tpu.memref_slice %arg13[%add3A_31] : memref<51200xf32, #tpu.memory_space<vmem_shared>> -> memref<1600xf32, #tpu.memory_space<vmem_shared>>
      %dma_start3A_40 = tpu.memref_slice %arg13[%add3A_31] : memref<51200xf32, #tpu.memory_space<vmem_shared>> -> memref<1600xf32, #tpu.memory_space<vmem_shared>>
      tpu.enqueue_dma source(%arg11 : memref<1600xf32, #tpu.memory_space<vmem>>) target(%dma_start3A_40 : memref<1600xf32, #tpu.memory_space<vmem_shared>>) target_semaphore(%run_scoped3A : memref<!tpu.dma_semaphore, #tpu.memory_space<semaphore_mem>>)
      %dma_wait3A = tpu.memref_slice %arg13[%add3A_31] : memref<51200xf32, #tpu.memory_space<vmem_shared>> -> memref<1600xf32, #tpu.memory_space<vmem_shared>>
      %dma_wait3A_41 = tpu.memref_slice %arg13[%add3A_31] : memref<51200xf32, #tpu.memory_space<vmem_shared>> -> memref<1600xf32, #tpu.memory_space<vmem_shared>>
      tpu.wait_dma2 semaphore(%run_scoped3A : memref<!tpu.dma_semaphore, #tpu.memory_space<semaphore_mem>>) src(%arg11 : memref<1600xf32, #tpu.memory_space<vmem>>) dst(%dma_wait3A_41 : memref<1600xf32, #tpu.memory_space<vmem_shared>>)
      tpu.yield
    }) : () -> ()
    %barrier3A = arith.constant 0 : index
    tpu.barrier barrier_id(%barrier3A)
    %scan3A_32 = arith.constant 0 : i32
    %scan3A_33 = arith.constant 0 : i32
    %scan3A_34 = arith.constant 4 : i32
    %scan3A_35 = arith.addi %scan3A_33, %scan3A_34 : i32
    %scan3A_36 = arith.constant 1 : i32
    %scan3A_37 = scf.for %scan3A_40 = %scan3A_33 to %scan3A_35 step %scan3A_36 iter_args(%scan3A_41 = %scan3A_32) -> (i32)  : i32 {
      %mul3A_42 = arith.constant 100 : i32
      %mul3A_43 = arith.muli %scan3A_40, %mul3A_42 : i32
      %run_scoped3A = arith.constant 0 : i32
      "tpu.region"() ({
        %run_scoped3A_145 = tpu.sem_alloc : memref<!tpu.dma_semaphore, #tpu.memory_space<semaphore_mem>>
        %dma_start3A_146 = arith.constant 0 : i32
        %dma_start3A_147 = tpu.memref_slice %arg2[%run_scoped3A, %add3A, %mul3A_43, %dma_start3A_146] : memref<2x32x400x125xi32, #tpu.memory_space<hbm>> -> memref<1x1x100x125xi32, #tpu.memory_space<hbm>>
        %dma_start3A_148 = tpu.memref_squeeze %dma_start3A_147 : memref<1x1x100x125xi32, #tpu.memory_space<hbm>> -> memref<100x125xi32, #tpu.memory_space<hbm>>
        %dma_start3A_149 = arith.constant 0 : i32
        %dma_start3A_150 = tpu.memref_slice %arg2[%run_scoped3A, %add3A, %mul3A_43, %dma_start3A_149] : memref<2x32x400x125xi32, #tpu.memory_space<hbm>> -> memref<1x1x100x125xi32, #tpu.memory_space<hbm>>
        %dma_start3A_151 = tpu.memref_squeeze %dma_start3A_150 : memref<1x1x100x125xi32, #tpu.memory_space<hbm>> -> memref<100x125xi32, #tpu.memory_space<hbm>>
        tpu.enqueue_dma source(%dma_start3A_151 : memref<100x125xi32, #tpu.memory_space<hbm>>) target(%arg6 : memref<100x125xi32, #tpu.memory_space<vmem>>) target_semaphore(%run_scoped3A_145 : memref<!tpu.dma_semaphore, #tpu.memory_space<semaphore_mem>>)
        %dma_wait3A = arith.constant 0 : i32
        %dma_wait3A_152 = tpu.memref_slice %arg2[%run_scoped3A, %add3A, %mul3A_43, %dma_wait3A] : memref<2x32x400x125xi32, #tpu.memory_space<hbm>> -> memref<1x1x100x125xi32, #tpu.memory_space<hbm>>
        %dma_wait3A_153 = tpu.memref_squeeze %dma_wait3A_152 : memref<1x1x100x125xi32, #tpu.memory_space<hbm>> -> memref<100x125xi32, #tpu.memory_space<hbm>>
        %dma_wait3A_154 = arith.constant 0 : i32
        %dma_wait3A_155 = tpu.memref_slice %arg2[%run_scoped3A, %add3A, %mul3A_43, %dma_wait3A_154] : memref<2x32x400x125xi32, #tpu.memory_space<hbm>> -> memref<1x1x100x125xi32, #tpu.memory_space<hbm>>
        %dma_wait3A_156 = tpu.memref_squeeze %dma_wait3A_155 : memref<1x1x100x125xi32, #tpu.memory_space<hbm>> -> memref<100x125xi32, #tpu.memory_space<hbm>>
        tpu.wait_dma2 semaphore(%run_scoped3A_145 : memref<!tpu.dma_semaphore, #tpu.memory_space<semaphore_mem>>) src(%dma_wait3A_156 : memref<100x125xi32, #tpu.memory_space<hbm>>) dst(%arg6 : memref<100x125xi32, #tpu.memory_space<vmem>>)
        tpu.yield
      }) : () -> ()
      %mul3A_44 = arith.constant 100 : i32
      %mul3A_45 = arith.muli %scan3A_40, %mul3A_44 : i32
      %run_scoped3A_46 = arith.constant 1 : i32
      "tpu.region"() ({
        %run_scoped3A_145 = tpu.sem_alloc : memref<!tpu.dma_semaphore, #tpu.memory_space<semaphore_mem>>
        %dma_start3A_146 = arith.constant 0 : i32
        %dma_start3A_147 = tpu.memref_slice %arg2[%run_scoped3A_46, %add3A, %mul3A_45, %dma_start3A_146] : memref<2x32x400x125xi32, #tpu.memory_space<hbm>> -> memref<1x1x100x125xi32, #tpu.memory_space<hbm>>
        %dma_start3A_148 = tpu.memref_squeeze %dma_start3A_147 : memref<1x1x100x125xi32, #tpu.memory_space<hbm>> -> memref<100x125xi32, #tpu.memory_space<hbm>>
        %dma_start3A_149 = arith.constant 0 : i32
        %dma_start3A_150 = tpu.memref_slice %arg2[%run_scoped3A_46, %add3A, %mul3A_45, %dma_start3A_149] : memref<2x32x400x125xi32, #tpu.memory_space<hbm>> -> memref<1x1x100x125xi32, #tpu.memory_space<hbm>>
        %dma_start3A_151 = tpu.memref_squeeze %dma_start3A_150 : memref<1x1x100x125xi32, #tpu.memory_space<hbm>> -> memref<100x125xi32, #tpu.memory_space<hbm>>
        tpu.enqueue_dma source(%dma_start3A_151 : memref<100x125xi32, #tpu.memory_space<hbm>>) target(%arg7 : memref<100x125xi32, #tpu.memory_space<vmem>>) target_semaphore(%run_scoped3A_145 : memref<!tpu.dma_semaphore, #tpu.memory_space<semaphore_mem>>)
        %dma_wait3A = arith.constant 0 : i32
        %dma_wait3A_152 = tpu.memref_slice %arg2[%run_scoped3A_46, %add3A, %mul3A_45, %dma_wait3A] : memref<2x32x400x125xi32, #tpu.memory_space<hbm>> -> memref<1x1x100x125xi32, #tpu.memory_space<hbm>>
        %dma_wait3A_153 = tpu.memref_squeeze %dma_wait3A_152 : memref<1x1x100x125xi32, #tpu.memory_space<hbm>> -> memref<100x125xi32, #tpu.memory_space<hbm>>
        %dma_wait3A_154 = arith.constant 0 : i32
        %dma_wait3A_155 = tpu.memref_slice %arg2[%run_scoped3A_46, %add3A, %mul3A_45, %dma_wait3A_154] : memref<2x32x400x125xi32, #tpu.memory_space<hbm>> -> memref<1x1x100x125xi32, #tpu.memory_space<hbm>>
        %dma_wait3A_156 = tpu.memref_squeeze %dma_wait3A_155 : memref<1x1x100x125xi32, #tpu.memory_space<hbm>> -> memref<100x125xi32, #tpu.memory_space<hbm>>
        tpu.wait_dma2 semaphore(%run_scoped3A_145 : memref<!tpu.dma_semaphore, #tpu.memory_space<semaphore_mem>>) src(%dma_wait3A_156 : memref<100x125xi32, #tpu.memory_space<hbm>>) dst(%arg7 : memref<100x125xi32, #tpu.memory_space<vmem>>)
        tpu.yield
      }) : () -> ()
      %dma_start3A = arith.constant 0 : i32
      %dma_start3A_47 = arith.constant 0 : i32
      %dma_start3A_48 = arith.constant 0 : i32
      %dma_start3A_49 = arith.constant 0 : i32
      %dma_start3A_50 = tpu.memref_slice %arg8[%dma_start3A_47, %dma_start3A_48, %dma_start3A_49] : memref<8x125x16xf32, #tpu.memory_space<vmem>> -> memref<1x125x16xf32, #tpu.memory_space<vmem>>
      %dma_start3A_51 = tpu.memref_squeeze %dma_start3A_50 : memref<1x125x16xf32, #tpu.memory_space<vmem>> -> memref<125x16xf32, #tpu.memory_space<vmem>>
      %dma_start3A_52 = arith.constant 0 : i32
      %dma_start3A_53 = tpu.memref_slice %arg6[%dma_start3A, %dma_start3A_52] : memref<100x125xi32, #tpu.memory_space<vmem>> -> memref<1x125xi32, #tpu.memory_space<vmem>>
      %dma_start3A_54 = tpu.memref_squeeze %dma_start3A_53 : memref<1x125xi32, #tpu.memory_space<vmem>> -> memref<125xi32, #tpu.memory_space<vmem>>
      %dma_start3A_55 = arith.constant 0 : i32
      %dma_start3A_56 = arith.constant 0 : i32
      %dma_start3A_57 = tpu.memref_slice %arg3[%dma_start3A_55, %dma_start3A_56] : memref<100000x16xf32, #tpu.memory_space<hbm>> -> memref<100000x16xf32, #tpu.memory_space<hbm>>
      tpu.enqueue_indirect_dma source(%dma_start3A_57 : memref<100000x16xf32, #tpu.memory_space<hbm>>) target(%dma_start3A_51 : memref<125x16xf32, #tpu.memory_space<vmem>>) offsets(%dma_start3A_54 : memref<125xi32, #tpu.memory_space<vmem>>) semaphore(%arg14 : memref<!tpu.dma_semaphore, #tpu.memory_space<semaphore_mem>>)
      %dma_start3A_58 = arith.constant 1 : i32
      %dma_start3A_59 = arith.constant 1 : i32
      %dma_start3A_60 = arith.constant 0 : i32
      %dma_start3A_61 = arith.constant 0 : i32
      %dma_start3A_62 = tpu.memref_slice %arg8[%dma_start3A_59, %dma_start3A_60, %dma_start3A_61] : memref<8x125x16xf32, #tpu.memory_space<vmem>> -> memref<1x125x16xf32, #tpu.memory_space<vmem>>
      %dma_start3A_63 = tpu.memref_squeeze %dma_start3A_62 : memref<1x125x16xf32, #tpu.memory_space<vmem>> -> memref<125x16xf32, #tpu.memory_space<vmem>>
      %dma_start3A_64 = arith.constant 0 : i32
      %dma_start3A_65 = tpu.memref_slice %arg6[%dma_start3A_58, %dma_start3A_64] : memref<100x125xi32, #tpu.memory_space<vmem>> -> memref<1x125xi32, #tpu.memory_space<vmem>>
      %dma_start3A_66 = tpu.memref_squeeze %dma_start3A_65 : memref<1x125xi32, #tpu.memory_space<vmem>> -> memref<125xi32, #tpu.memory_space<vmem>>
      %dma_start3A_67 = arith.constant 0 : i32
      %dma_start3A_68 = arith.constant 0 : i32
      %dma_start3A_69 = tpu.memref_slice %arg3[%dma_start3A_67, %dma_start3A_68] : memref<100000x16xf32, #tpu.memory_space<hbm>> -> memref<100000x16xf32, #tpu.memory_space<hbm>>
      tpu.enqueue_indirect_dma source(%dma_start3A_69 : memref<100000x16xf32, #tpu.memory_space<hbm>>) target(%dma_start3A_63 : memref<125x16xf32, #tpu.memory_space<vmem>>) offsets(%dma_start3A_66 : memref<125xi32, #tpu.memory_space<vmem>>) semaphore(%arg14 : memref<!tpu.dma_semaphore, #tpu.memory_space<semaphore_mem>>)
      %dma_start3A_70 = arith.constant 2 : i32
      %dma_start3A_71 = arith.constant 2 : i32
      %dma_start3A_72 = arith.constant 0 : i32
      %dma_start3A_73 = arith.constant 0 : i32
      %dma_start3A_74 = tpu.memref_slice %arg8[%dma_start3A_71, %dma_start3A_72, %dma_start3A_73] : memref<8x125x16xf32, #tpu.memory_space<vmem>> -> memref<1x125x16xf32, #tpu.memory_space<vmem>>
      %dma_start3A_75 = tpu.memref_squeeze %dma_start3A_74 : memref<1x125x16xf32, #tpu.memory_space<vmem>> -> memref<125x16xf32, #tpu.memory_space<vmem>>
      %dma_start3A_76 = arith.constant 0 : i32
      %dma_start3A_77 = tpu.memref_slice %arg6[%dma_start3A_70, %dma_start3A_76] : memref<100x125xi32, #tpu.memory_space<vmem>> -> memref<1x125xi32, #tpu.memory_space<vmem>>
      %dma_start3A_78 = tpu.memref_squeeze %dma_start3A_77 : memref<1x125xi32, #tpu.memory_space<vmem>> -> memref<125xi32, #tpu.memory_space<vmem>>
      %dma_start3A_79 = arith.constant 0 : i32
      %dma_start3A_80 = arith.constant 0 : i32
      %dma_start3A_81 = tpu.memref_slice %arg3[%dma_start3A_79, %dma_start3A_80] : memref<100000x16xf32, #tpu.memory_space<hbm>> -> memref<100000x16xf32, #tpu.memory_space<hbm>>
      tpu.enqueue_indirect_dma source(%dma_start3A_81 : memref<100000x16xf32, #tpu.memory_space<hbm>>) target(%dma_start3A_75 : memref<125x16xf32, #tpu.memory_space<vmem>>) offsets(%dma_start3A_78 : memref<125xi32, #tpu.memory_space<vmem>>) semaphore(%arg14 : memref<!tpu.dma_semaphore, #tpu.memory_space<semaphore_mem>>)
      %dma_start3A_82 = arith.constant 3 : i32
      %dma_start3A_83 = arith.constant 3 : i32
      %dma_start3A_84 = arith.constant 0 : i32
      %dma_start3A_85 = arith.constant 0 : i32
      %dma_start3A_86 = tpu.memref_slice %arg8[%dma_start3A_83, %dma_start3A_84, %dma_start3A_85] : memref<8x125x16xf32, #tpu.memory_space<vmem>> -> memref<1x125x16xf32, #tpu.memory_space<vmem>>
      %dma_start3A_87 = tpu.memref_squeeze %dma_start3A_86 : memref<1x125x16xf32, #tpu.memory_space<vmem>> -> memref<125x16xf32, #tpu.memory_space<vmem>>
      %dma_start3A_88 = arith.constant 0 : i32
      %dma_start3A_89 = tpu.memref_slice %arg6[%dma_start3A_82, %dma_start3A_88] : memref<100x125xi32, #tpu.memory_space<vmem>> -> memref<1x125xi32, #tpu.memory_space<vmem>>
      %dma_start3A_90 = tpu.memref_squeeze %dma_start3A_89 : memref<1x125xi32, #tpu.memory_space<vmem>> -> memref<125xi32, #tpu.memory_space<vmem>>
      %dma_start3A_91 = arith.constant 0 : i32
      %dma_start3A_92 = arith.constant 0 : i32
      %dma_start3A_93 = tpu.memref_slice %arg3[%dma_start3A_91, %dma_start3A_92] : memref<100000x16xf32, #tpu.memory_space<hbm>> -> memref<100000x16xf32, #tpu.memory_space<hbm>>
      tpu.enqueue_indirect_dma source(%dma_start3A_93 : memref<100000x16xf32, #tpu.memory_space<hbm>>) target(%dma_start3A_87 : memref<125x16xf32, #tpu.memory_space<vmem>>) offsets(%dma_start3A_90 : memref<125xi32, #tpu.memory_space<vmem>>) semaphore(%arg14 : memref<!tpu.dma_semaphore, #tpu.memory_space<semaphore_mem>>)
      %dma_start3A_94 = arith.constant 4 : i32
      %dma_start3A_95 = arith.constant 4 : i32
      %dma_start3A_96 = arith.constant 0 : i32
      %dma_start3A_97 = arith.constant 0 : i32
      %dma_start3A_98 = tpu.memref_slice %arg8[%dma_start3A_95, %dma_start3A_96, %dma_start3A_97] : memref<8x125x16xf32, #tpu.memory_space<vmem>> -> memref<1x125x16xf32, #tpu.memory_space<vmem>>
      %dma_start3A_99 = tpu.memref_squeeze %dma_start3A_98 : memref<1x125x16xf32, #tpu.memory_space<vmem>> -> memref<125x16xf32, #tpu.memory_space<vmem>>
      %dma_start3A_100 = arith.constant 0 : i32
      %dma_start3A_101 = tpu.memref_slice %arg6[%dma_start3A_94, %dma_start3A_100] : memref<100x125xi32, #tpu.memory_space<vmem>> -> memref<1x125xi32, #tpu.memory_space<vmem>>
      %dma_start3A_102 = tpu.memref_squeeze %dma_start3A_101 : memref<1x125xi32, #tpu.memory_space<vmem>> -> memref<125xi32, #tpu.memory_space<vmem>>
      %dma_start3A_103 = arith.constant 0 : i32
      %dma_start3A_104 = arith.constant 0 : i32
      %dma_start3A_105 = tpu.memref_slice %arg3[%dma_start3A_103, %dma_start3A_104] : memref<100000x16xf32, #tpu.memory_space<hbm>> -> memref<100000x16xf32, #tpu.memory_space<hbm>>
      tpu.enqueue_indirect_dma source(%dma_start3A_105 : memref<100000x16xf32, #tpu.memory_space<hbm>>) target(%dma_start3A_99 : memref<125x16xf32, #tpu.memory_space<vmem>>) offsets(%dma_start3A_102 : memref<125xi32, #tpu.memory_space<vmem>>) semaphore(%arg14 : memref<!tpu.dma_semaphore, #tpu.memory_space<semaphore_mem>>)
      %dma_start3A_106 = arith.constant 5 : i32
      %dma_start3A_107 = arith.constant 5 : i32
      %dma_start3A_108 = arith.constant 0 : i32
      %dma_start3A_109 = arith.constant 0 : i32
      %dma_start3A_110 = tpu.memref_slice %arg8[%dma_start3A_107, %dma_start3A_108, %dma_start3A_109] : memref<8x125x16xf32, #tpu.memory_space<vmem>> -> memref<1x125x16xf32, #tpu.memory_space<vmem>>
      %dma_start3A_111 = tpu.memref_squeeze %dma_start3A_110 : memref<1x125x16xf32, #tpu.memory_space<vmem>> -> memref<125x16xf32, #tpu.memory_space<vmem>>
      %dma_start3A_112 = arith.constant 0 : i32
      %dma_start3A_113 = tpu.memref_slice %arg6[%dma_start3A_106, %dma_start3A_112] : memref<100x125xi32, #tpu.memory_space<vmem>> -> memref<1x125xi32, #tpu.memory_space<vmem>>
      %dma_start3A_114 = tpu.memref_squeeze %dma_start3A_113 : memref<1x125xi32, #tpu.memory_space<vmem>> -> memref<125xi32, #tpu.memory_space<vmem>>
      %dma_start3A_115 = arith.constant 0 : i32
      %dma_start3A_116 = arith.constant 0 : i32
      %dma_start3A_117 = tpu.memref_slice %arg3[%dma_start3A_115, %dma_start3A_116] : memref<100000x16xf32, #tpu.memory_space<hbm>> -> memref<100000x16xf32, #tpu.memory_space<hbm>>
      tpu.enqueue_indirect_dma source(%dma_start3A_117 : memref<100000x16xf32, #tpu.memory_space<hbm>>) target(%dma_start3A_111 : memref<125x16xf32, #tpu.memory_space<vmem>>) offsets(%dma_start3A_114 : memref<125xi32, #tpu.memory_space<vmem>>) semaphore(%arg14 : memref<!tpu.dma_semaphore, #tpu.memory_space<semaphore_mem>>)
      %dma_start3A_118 = arith.constant 6 : i32
      %dma_start3A_119 = arith.constant 6 : i32
      %dma_start3A_120 = arith.constant 0 : i32
      %dma_start3A_121 = arith.constant 0 : i32
      %dma_start3A_122 = tpu.memref_slice %arg8[%dma_start3A_119, %dma_start3A_120, %dma_start3A_121] : memref<8x125x16xf32, #tpu.memory_space<vmem>> -> memref<1x125x16xf32, #tpu.memory_space<vmem>>
      %dma_start3A_123 = tpu.memref_squeeze %dma_start3A_122 : memref<1x125x16xf32, #tpu.memory_space<vmem>> -> memref<125x16xf32, #tpu.memory_space<vmem>>
      %dma_start3A_124 = arith.constant 0 : i32
      %dma_start3A_125 = tpu.memref_slice %arg6[%dma_start3A_118, %dma_start3A_124] : memref<100x125xi32, #tpu.memory_space<vmem>> -> memref<1x125xi32, #tpu.memory_space<vmem>>
      %dma_start3A_126 = tpu.memref_squeeze %dma_start3A_125 : memref<1x125xi32, #tpu.memory_space<vmem>> -> memref<125xi32, #tpu.memory_space<vmem>>
      %dma_start3A_127 = arith.constant 0 : i32
      %dma_start3A_128 = arith.constant 0 : i32
      %dma_start3A_129 = tpu.memref_slice %arg3[%dma_start3A_127, %dma_start3A_128] : memref<100000x16xf32, #tpu.memory_space<hbm>> -> memref<100000x16xf32, #tpu.memory_space<hbm>>
      tpu.enqueue_indirect_dma source(%dma_start3A_129 : memref<100000x16xf32, #tpu.memory_space<hbm>>) target(%dma_start3A_123 : memref<125x16xf32, #tpu.memory_space<vmem>>) offsets(%dma_start3A_126 : memref<125xi32, #tpu.memory_space<vmem>>) semaphore(%arg14 : memref<!tpu.dma_semaphore, #tpu.memory_space<semaphore_mem>>)
      %scan3A_130 = arith.constant 0 : i32
      %scan3A_131 = arith.constant 0 : i32
      %scan3A_132 = arith.constant 100 : i32
      %scan3A_133 = arith.addi %scan3A_131, %scan3A_132 : i32
      %scan3A_134 = arith.constant 1 : i32
      %scan3A_135 = scf.for %scan3A_145 = %scan3A_131 to %scan3A_133 step %scan3A_134 iter_args(%scan3A_146 = %scan3A_130) -> (i32)  : i32 {
        %jit3A = arith.constant 8 : i32
        %eq3A = arith.constant 0 : i32
        %eq3A_147 = arith.cmpi eq, %jit3A, %eq3A : i32
        %jit3A_148 = arith.constant 1 : i32
        %select_n3A = arith.select %eq3A_147, %jit3A_148, %jit3A : i32
        %rem3A = arith.remsi %scan3A_145, %select_n3A : i32
        %ne3A = arith.constant 0 : i32
        %ne3A_149 = arith.cmpi ne, %rem3A, %ne3A : i32
        %lt3A = arith.constant 0 : i32
        %lt3A_150 = arith.cmpi slt, %rem3A, %lt3A : i32
        %lt3A_151 = arith.constant 0 : i32
        %lt3A_152 = arith.cmpi slt, %select_n3A, %lt3A_151 : i32
        %ne3A_153 = arith.xori %lt3A_150, %lt3A_152 : i1
        %and3A = arith.andi %ne3A_153, %ne3A_149 : i1
        %add3A_154 = arith.addi %rem3A, %select_n3A : i32
        %select_n3A_155 = arith.select %and3A, %add3A_154, %rem3A : i32
        %dma_wait3A = arith.constant 0 : i32
        %dma_wait3A_156 = arith.constant 0 : i32
        %dma_wait3A_157 = tpu.memref_slice %arg8[%select_n3A_155, %dma_wait3A, %dma_wait3A_156] : memref<8x125x16xf32, #tpu.memory_space<vmem>> -> memref<1x125x16xf32, #tpu.memory_space<vmem>>
        %dma_wait3A_158 = tpu.memref_squeeze %dma_wait3A_157 : memref<1x125x16xf32, #tpu.memory_space<vmem>> -> memref<125x16xf32, #tpu.memory_space<vmem>>
        %dma_wait3A_159 = arith.constant 0 : i32
        %dma_wait3A_160 = tpu.memref_slice %arg6[%scan3A_145, %dma_wait3A_159] : memref<100x125xi32, #tpu.memory_space<vmem>> -> memref<1x125xi32, #tpu.memory_space<vmem>>
        %dma_wait3A_161 = tpu.memref_squeeze %dma_wait3A_160 : memref<1x125xi32, #tpu.memory_space<vmem>> -> memref<125xi32, #tpu.memory_space<vmem>>
        %dma_wait3A_162 = arith.constant 0 : i32
        %dma_wait3A_163 = arith.constant 0 : i32
        %dma_wait3A_164 = tpu.memref_slice %arg3[%dma_wait3A_162, %dma_wait3A_163] : memref<100000x16xf32, #tpu.memory_space<hbm>> -> memref<100000x16xf32, #tpu.memory_space<hbm>>
        tpu.wait_indirect_dma semaphore(%arg14 : memref<!tpu.dma_semaphore, #tpu.memory_space<semaphore_mem>>) src(%dma_wait3A_164 : memref<100000x16xf32, #tpu.memory_space<hbm>>) dst(%dma_wait3A_158 : memref<125x16xf32, #tpu.memory_space<vmem>>)
        %jit3A_165 = arith.constant 8 : i32
        %eq3A_166 = arith.constant 0 : i32
        %eq3A_167 = arith.cmpi eq, %jit3A_165, %eq3A_166 : i32
        %jit3A_168 = arith.constant 1 : i32
        %select_n3A_169 = arith.select %eq3A_167, %jit3A_168, %jit3A_165 : i32
        %rem3A_170 = arith.remsi %scan3A_145, %select_n3A_169 : i32
        %ne3A_171 = arith.constant 0 : i32
        %ne3A_172 = arith.cmpi ne, %rem3A_170, %ne3A_171 : i32
        %lt3A_173 = arith.constant 0 : i32
        %lt3A_174 = arith.cmpi slt, %rem3A_170, %lt3A_173 : i32
        %lt3A_175 = arith.constant 0 : i32
        %lt3A_176 = arith.cmpi slt, %select_n3A_169, %lt3A_175 : i32
        %ne3A_177 = arith.xori %lt3A_174, %lt3A_176 : i1
        %and3A_178 = arith.andi %ne3A_177, %ne3A_172 : i1
        %add3A_179 = arith.addi %rem3A_170, %select_n3A_169 : i32
        %select_n3A_180 = arith.select %and3A_178, %add3A_179, %rem3A_170 : i32
        %dma_start3A_181 = arith.constant 0 : i32
        %dma_start3A_182 = arith.constant 0 : i32
        %dma_start3A_183 = tpu.memref_slice %arg8[%select_n3A_180, %dma_start3A_181, %dma_start3A_182] : memref<8x125x16xf32, #tpu.memory_space<vmem>> -> memref<1x125x16xf32, #tpu.memory_space<vmem>>
        %dma_start3A_184 = tpu.memref_squeeze %dma_start3A_183 : memref<1x125x16xf32, #tpu.memory_space<vmem>> -> memref<125x16xf32, #tpu.memory_space<vmem>>
        %dma_start3A_185 = arith.constant 0 : i32
        %dma_start3A_186 = tpu.memref_slice %arg7[%scan3A_145, %dma_start3A_185] : memref<100x125xi32, #tpu.memory_space<vmem>> -> memref<1x125xi32, #tpu.memory_space<vmem>>
        %dma_start3A_187 = tpu.memref_squeeze %dma_start3A_186 : memref<1x125xi32, #tpu.memory_space<vmem>> -> memref<125xi32, #tpu.memory_space<vmem>>
        %dma_start3A_188 = arith.constant 0 : i32
        %dma_start3A_189 = arith.constant 0 : i32
        %dma_start3A_190 = tpu.memref_slice %arg12[%dma_start3A_188, %dma_start3A_189] : memref<51200x16xf32, #tpu.memory_space<vmem_shared>> -> memref<51200x16xf32, #tpu.memory_space<vmem_shared>>
        tpu.enqueue_indirect_dma source(%dma_start3A_184 : memref<125x16xf32, #tpu.memory_space<vmem>>) target(%dma_start3A_190 : memref<51200x16xf32, #tpu.memory_space<vmem_shared>>) offsets(%dma_start3A_187 : memref<125xi32, #tpu.memory_space<vmem>>) semaphore(%arg15 : memref<!tpu.dma_semaphore, #tpu.memory_space<semaphore_mem>>) {add = true}
        %dma_start3A_191 = arith.constant 0 : i32
        %dma_start3A_192 = tpu.memref_slice %arg9[%dma_start3A_191] : memref<128xf32, #tpu.memory_space<vmem>> -> memref<125xf32, #tpu.memory_space<vmem>>
        %dma_start3A_193 = arith.constant 0 : i32
        %dma_start3A_194 = tpu.memref_slice %arg7[%scan3A_145, %dma_start3A_193] : memref<100x125xi32, #tpu.memory_space<vmem>> -> memref<1x125xi32, #tpu.memory_space<vmem>>
        %dma_start3A_195 = tpu.memref_squeeze %dma_start3A_194 : memref<1x125xi32, #tpu.memory_space<vmem>> -> memref<125xi32, #tpu.memory_space<vmem>>
        %dma_start3A_196 = arith.constant 0 : i32
        %dma_start3A_197 = tpu.memref_slice %arg13[%dma_start3A_196] : memref<51200xf32, #tpu.memory_space<vmem_shared>> -> memref<51200xf32, #tpu.memory_space<vmem_shared>>
        tpu.enqueue_indirect_dma source(%dma_start3A_192 : memref<125xf32, #tpu.memory_space<vmem>>) target(%dma_start3A_197 : memref<51200xf32, #tpu.memory_space<vmem_shared>>) offsets(%dma_start3A_195 : memref<125xi32, #tpu.memory_space<vmem>>) semaphore(%arg16 : memref<!tpu.dma_semaphore, #tpu.memory_space<semaphore_mem>>) {add = true}
        %ge3A = arith.constant 5 : i32
        %ge3A_198 = arith.cmpi sge, %scan3A_145, %ge3A : i32
        %convert_element_type3A = arith.extui %ge3A_198 : i1 to i32
        %cond3A = arith.constant 0 : i32
        %cond3A_199 = arith.cmpi ne, %convert_element_type3A, %cond3A : i32
        scf.if %cond3A_199 {
          %sub3A = arith.constant 5 : i32
          %sub3A_208 = arith.subi %scan3A_145, %sub3A : i32
          %jit3A_209 = arith.constant 8 : i32
          %eq3A_210 = arith.constant 0 : i32
          %eq3A_211 = arith.cmpi eq, %jit3A_209, %eq3A_210 : i32
          %jit3A_212 = arith.constant 1 : i32
          %select_n3A_213 = arith.select %eq3A_211, %jit3A_212, %jit3A_209 : i32
          %rem3A_214 = arith.remsi %sub3A_208, %select_n3A_213 : i32
          %ne3A_215 = arith.constant 0 : i32
          %ne3A_216 = arith.cmpi ne, %rem3A_214, %ne3A_215 : i32
          %lt3A_217 = arith.constant 0 : i32
          %lt3A_218 = arith.cmpi slt, %rem3A_214, %lt3A_217 : i32
          %lt3A_219 = arith.constant 0 : i32
          %lt3A_220 = arith.cmpi slt, %select_n3A_213, %lt3A_219 : i32
          %ne3A_221 = arith.xori %lt3A_218, %lt3A_220 : i1
          %and3A_222 = arith.andi %ne3A_221, %ne3A_216 : i1
          %add3A_223 = arith.addi %rem3A_214, %select_n3A_213 : i32
          %select_n3A_224 = arith.select %and3A_222, %add3A_223, %rem3A_214 : i32
          %sub3A_225 = arith.constant 5 : i32
          %sub3A_226 = arith.subi %scan3A_145, %sub3A_225 : i32
          %dma_wait3A_227 = arith.constant 0 : i32
          %dma_wait3A_228 = arith.constant 0 : i32
          %dma_wait3A_229 = tpu.memref_slice %arg8[%select_n3A_224, %dma_wait3A_227, %dma_wait3A_228] : memref<8x125x16xf32, #tpu.memory_space<vmem>> -> memref<1x125x16xf32, #tpu.memory_space<vmem>>
          %dma_wait3A_230 = tpu.memref_squeeze %dma_wait3A_229 : memref<1x125x16xf32, #tpu.memory_space<vmem>> -> memref<125x16xf32, #tpu.memory_space<vmem>>
          %dma_wait3A_231 = arith.constant 0 : i32
          %dma_wait3A_232 = tpu.memref_slice %arg7[%sub3A_226, %dma_wait3A_231] : memref<100x125xi32, #tpu.memory_space<vmem>> -> memref<1x125xi32, #tpu.memory_space<vmem>>
          %dma_wait3A_233 = tpu.memref_squeeze %dma_wait3A_232 : memref<1x125xi32, #tpu.memory_space<vmem>> -> memref<125xi32, #tpu.memory_space<vmem>>
          %dma_wait3A_234 = arith.constant 0 : i32
          %dma_wait3A_235 = arith.constant 0 : i32
          %dma_wait3A_236 = tpu.memref_slice %arg12[%dma_wait3A_234, %dma_wait3A_235] : memref<51200x16xf32, #tpu.memory_space<vmem_shared>> -> memref<51200x16xf32, #tpu.memory_space<vmem_shared>>
          tpu.wait_indirect_dma semaphore(%arg15 : memref<!tpu.dma_semaphore, #tpu.memory_space<semaphore_mem>>) src(%dma_wait3A_230 : memref<125x16xf32, #tpu.memory_space<vmem>>) dst(%dma_wait3A_236 : memref<51200x16xf32, #tpu.memory_space<vmem_shared>>)
          %sub3A_237 = arith.constant 5 : i32
          %sub3A_238 = arith.subi %scan3A_145, %sub3A_237 : i32
          %dma_wait3A_239 = arith.constant 0 : i32
          %dma_wait3A_240 = tpu.memref_slice %arg9[%dma_wait3A_239] : memref<128xf32, #tpu.memory_space<vmem>> -> memref<125xf32, #tpu.memory_space<vmem>>
          %dma_wait3A_241 = arith.constant 0 : i32
          %dma_wait3A_242 = tpu.memref_slice %arg7[%sub3A_238, %dma_wait3A_241] : memref<100x125xi32, #tpu.memory_space<vmem>> -> memref<1x125xi32, #tpu.memory_space<vmem>>
          %dma_wait3A_243 = tpu.memref_squeeze %dma_wait3A_242 : memref<1x125xi32, #tpu.memory_space<vmem>> -> memref<125xi32, #tpu.memory_space<vmem>>
          %dma_wait3A_244 = arith.constant 0 : i32
          %dma_wait3A_245 = tpu.memref_slice %arg13[%dma_wait3A_244] : memref<51200xf32, #tpu.memory_space<vmem_shared>> -> memref<51200xf32, #tpu.memory_space<vmem_shared>>
          tpu.wait_indirect_dma semaphore(%arg16 : memref<!tpu.dma_semaphore, #tpu.memory_space<semaphore_mem>>) src(%dma_wait3A_240 : memref<125xf32, #tpu.memory_space<vmem>>) dst(%dma_wait3A_245 : memref<51200xf32, #tpu.memory_space<vmem_shared>>)
        } else {
        }
        %add3A_200 = arith.constant 7 : i32
        %add3A_201 = arith.addi %scan3A_145, %add3A_200 : i32
        %lt3A_202 = arith.constant 100 : i32
        %lt3A_203 = arith.cmpi slt, %add3A_201, %lt3A_202 : i32
        %convert_element_type3A_204 = arith.extui %lt3A_203 : i1 to i32
        %cond3A_205 = arith.constant 0 : i32
        %cond3A_206 = arith.cmpi ne, %convert_element_type3A_204, %cond3A_205 : i32
        scf.if %cond3A_206 {
          %add3A_208 = arith.constant 7 : i32
          %add3A_209 = arith.addi %scan3A_145, %add3A_208 : i32
          %add3A_210 = arith.constant 7 : i32
          %add3A_211 = arith.addi %scan3A_145, %add3A_210 : i32
          %jit3A_212 = arith.constant 8 : i32
          %eq3A_213 = arith.constant 0 : i32
          %eq3A_214 = arith.cmpi eq, %jit3A_212, %eq3A_213 : i32
          %jit3A_215 = arith.constant 1 : i32
          %select_n3A_216 = arith.select %eq3A_214, %jit3A_215, %jit3A_212 : i32
          %rem3A_217 = arith.remsi %add3A_211, %select_n3A_216 : i32
          %ne3A_218 = arith.constant 0 : i32
          %ne3A_219 = arith.cmpi ne, %rem3A_217, %ne3A_218 : i32
          %lt3A_220 = arith.constant 0 : i32
          %lt3A_221 = arith.cmpi slt, %rem3A_217, %lt3A_220 : i32
          %lt3A_222 = arith.constant 0 : i32
          %lt3A_223 = arith.cmpi slt, %select_n3A_216, %lt3A_222 : i32
          %ne3A_224 = arith.xori %lt3A_221, %lt3A_223 : i1
          %and3A_225 = arith.andi %ne3A_224, %ne3A_219 : i1
          %add3A_226 = arith.addi %rem3A_217, %select_n3A_216 : i32
          %select_n3A_227 = arith.select %and3A_225, %add3A_226, %rem3A_217 : i32
          %dma_start3A_228 = arith.constant 0 : i32
          %dma_start3A_229 = arith.constant 0 : i32
          %dma_start3A_230 = tpu.memref_slice %arg8[%select_n3A_227, %dma_start3A_228, %dma_start3A_229] : memref<8x125x16xf32, #tpu.memory_space<vmem>> -> memref<1x125x16xf32, #tpu.memory_space<vmem>>
          %dma_start3A_231 = tpu.memref_squeeze %dma_start3A_230 : memref<1x125x16xf32, #tpu.memory_space<vmem>> -> memref<125x16xf32, #tpu.memory_space<vmem>>
          %dma_start3A_232 = arith.constant 0 : i32
          %dma_start3A_233 = tpu.memref_slice %arg6[%add3A_209, %dma_start3A_232] : memref<100x125xi32, #tpu.memory_space<vmem>> -> memref<1x125xi32, #tpu.memory_space<vmem>>
          %dma_start3A_234 = tpu.memref_squeeze %dma_start3A_233 : memref<1x125xi32, #tpu.memory_space<vmem>> -> memref<125xi32, #tpu.memory_space<vmem>>
          %dma_start3A_235 = arith.constant 0 : i32
          %dma_start3A_236 = arith.constant 0 : i32
          %dma_start3A_237 = tpu.memref_slice %arg3[%dma_start3A_235, %dma_start3A_236] : memref<100000x16xf32, #tpu.memory_space<hbm>> -> memref<100000x16xf32, #tpu.memory_space<hbm>>
          tpu.enqueue_indirect_dma source(%dma_start3A_237 : memref<100000x16xf32, #tpu.memory_space<hbm>>) target(%dma_start3A_231 : memref<125x16xf32, #tpu.memory_space<vmem>>) offsets(%dma_start3A_234 : memref<125xi32, #tpu.memory_space<vmem>>) semaphore(%arg14 : memref<!tpu.dma_semaphore, #tpu.memory_space<semaphore_mem>>)
        } else {
        }
        %scan3A_207 = arith.constant 0 : i32
        scf.yield %scan3A_207 : i32
      }
      %scan3A_136 = arith.constant 100 : i32
      %scan3A_137 = arith.constant 0 : i32
      %scan3A_138 = arith.constant 95 : i32
      %scan3A_139 = arith.constant 5 : i32
      %scan3A_140 = arith.addi %scan3A_138, %scan3A_139 : i32
      %scan3A_141 = arith.constant 1 : i32
      %scan3A_142 = scf.for %scan3A_145 = %scan3A_138 to %scan3A_140 step %scan3A_141 iter_args(%scan3A_146 = %scan3A_137) -> (i32)  : i32 {
        %jit3A = arith.constant 8 : i32
        %eq3A = arith.constant 0 : i32
        %eq3A_147 = arith.cmpi eq, %jit3A, %eq3A : i32
        %jit3A_148 = arith.constant 1 : i32
        %select_n3A = arith.select %eq3A_147, %jit3A_148, %jit3A : i32
        %rem3A = arith.remsi %scan3A_145, %select_n3A : i32
        %ne3A = arith.constant 0 : i32
        %ne3A_149 = arith.cmpi ne, %rem3A, %ne3A : i32
        %lt3A = arith.constant 0 : i32
        %lt3A_150 = arith.cmpi slt, %rem3A, %lt3A : i32
        %lt3A_151 = arith.constant 0 : i32
        %lt3A_152 = arith.cmpi slt, %select_n3A, %lt3A_151 : i32
        %ne3A_153 = arith.xori %lt3A_150, %lt3A_152 : i1
        %and3A = arith.andi %ne3A_153, %ne3A_149 : i1
        %add3A_154 = arith.addi %rem3A, %select_n3A : i32
        %select_n3A_155 = arith.select %and3A, %add3A_154, %rem3A : i32
        %dma_wait3A = arith.constant 0 : i32
        %dma_wait3A_156 = arith.constant 0 : i32
        %dma_wait3A_157 = tpu.memref_slice %arg8[%select_n3A_155, %dma_wait3A, %dma_wait3A_156] : memref<8x125x16xf32, #tpu.memory_space<vmem>> -> memref<1x125x16xf32, #tpu.memory_space<vmem>>
        %dma_wait3A_158 = tpu.memref_squeeze %dma_wait3A_157 : memref<1x125x16xf32, #tpu.memory_space<vmem>> -> memref<125x16xf32, #tpu.memory_space<vmem>>
        %dma_wait3A_159 = arith.constant 0 : i32
        %dma_wait3A_160 = tpu.memref_slice %arg7[%scan3A_145, %dma_wait3A_159] : memref<100x125xi32, #tpu.memory_space<vmem>> -> memref<1x125xi32, #tpu.memory_space<vmem>>
        %dma_wait3A_161 = tpu.memref_squeeze %dma_wait3A_160 : memref<1x125xi32, #tpu.memory_space<vmem>> -> memref<125xi32, #tpu.memory_space<vmem>>
        %dma_wait3A_162 = arith.constant 0 : i32
        %dma_wait3A_163 = arith.constant 0 : i32
        %dma_wait3A_164 = tpu.memref_slice %arg12[%dma_wait3A_162, %dma_wait3A_163] : memref<51200x16xf32, #tpu.memory_space<vmem_shared>> -> memref<51200x16xf32, #tpu.memory_space<vmem_shared>>
        tpu.wait_indirect_dma semaphore(%arg15 : memref<!tpu.dma_semaphore, #tpu.memory_space<semaphore_mem>>) src(%dma_wait3A_158 : memref<125x16xf32, #tpu.memory_space<vmem>>) dst(%dma_wait3A_164 : memref<51200x16xf32, #tpu.memory_space<vmem_shared>>)
        %dma_wait3A_165 = arith.constant 0 : i32
        %dma_wait3A_166 = tpu.memref_slice %arg9[%dma_wait3A_165] : memref<128xf32, #tpu.memory_space<vmem>> -> memref<125xf32, #tpu.memory_space<vmem>>
        %dma_wait3A_167 = arith.constant 0 : i32
        %dma_wait3A_168 = tpu.memref_slice %arg7[%scan3A_145, %dma_wait3A_167] : memref<100x125xi32, #tpu.memory_space<vmem>> -> memref<1x125xi32, #tpu.memory_space<vmem>>
        %dma_wait3A_169 = tpu.memref_squeeze %dma_wait3A_168 : memref<1x125xi32, #tpu.memory_space<vmem>> -> memref<125xi32, #tpu.memory_space<vmem>>
        %dma_wait3A_170 = arith.constant 0 : i32
        %dma_wait3A_171 = tpu.memref_slice %arg13[%dma_wait3A_170] : memref<51200xf32, #tpu.memory_space<vmem_shared>> -> memref<51200xf32, #tpu.memory_space<vmem_shared>>
        tpu.wait_indirect_dma semaphore(%arg16 : memref<!tpu.dma_semaphore, #tpu.memory_space<semaphore_mem>>) src(%dma_wait3A_166 : memref<125xf32, #tpu.memory_space<vmem>>) dst(%dma_wait3A_171 : memref<51200xf32, #tpu.memory_space<vmem_shared>>)
        %scan3A_172 = arith.constant 0 : i32
        scf.yield %scan3A_172 : i32
      }
      %scan3A_143 = arith.constant 5 : i32
      %scan3A_144 = arith.constant 0 : i32
      scf.yield %scan3A_144 : i32
    }
    %scan3A_38 = arith.constant 4 : i32
    %barrier3A_39 = arith.constant 0 : index
    tpu.barrier barrier_id(%barrier3A_39)
    "tpu.region"() ({
      %run_scoped3A = tpu.sem_alloc : memref<!tpu.dma_semaphore, #tpu.memory_space<semaphore_mem>>
      %dma_start3A = arith.constant 0 : i32
      %dma_start3A_40 = tpu.memref_slice %arg4[%arg0, %mul3A_22, %dma_start3A] : memref<2x51200x16xf32, #tpu.memory_space<hbm>> -> memref<1x3200x16xf32, #tpu.memory_space<hbm>>
      %dma_start3A_41 = tpu.memref_squeeze %dma_start3A_40 : memref<1x3200x16xf32, #tpu.memory_space<hbm>> -> memref<3200x16xf32, #tpu.memory_space<hbm>>
      %dma_start3A_42 = arith.constant 0 : i32
      %dma_start3A_43 = tpu.memref_slice %arg12[%mul3A_22, %dma_start3A_42] : memref<51200x16xf32, #tpu.memory_space<vmem_shared>> -> memref<3200x16xf32, #tpu.memory_space<vmem_shared>>
      tpu.enqueue_dma source(%dma_start3A_43 : memref<3200x16xf32, #tpu.memory_space<vmem_shared>>) target(%dma_start3A_41 : memref<3200x16xf32, #tpu.memory_space<hbm>>) target_semaphore(%run_scoped3A : memref<!tpu.dma_semaphore, #tpu.memory_space<semaphore_mem>>)
      %dma_wait3A = arith.constant 0 : i32
      %dma_wait3A_44 = tpu.memref_slice %arg4[%arg0, %mul3A_22, %dma_wait3A] : memref<2x51200x16xf32, #tpu.memory_space<hbm>> -> memref<1x3200x16xf32, #tpu.memory_space<hbm>>
      %dma_wait3A_45 = tpu.memref_squeeze %dma_wait3A_44 : memref<1x3200x16xf32, #tpu.memory_space<hbm>> -> memref<3200x16xf32, #tpu.memory_space<hbm>>
      %dma_wait3A_46 = arith.constant 0 : i32
      %dma_wait3A_47 = tpu.memref_slice %arg12[%mul3A_22, %dma_wait3A_46] : memref<51200x16xf32, #tpu.memory_space<vmem_shared>> -> memref<3200x16xf32, #tpu.memory_space<vmem_shared>>
      tpu.wait_dma2 semaphore(%run_scoped3A : memref<!tpu.dma_semaphore, #tpu.memory_space<semaphore_mem>>) src(%dma_wait3A_47 : memref<3200x16xf32, #tpu.memory_space<vmem_shared>>) dst(%dma_wait3A_45 : memref<3200x16xf32, #tpu.memory_space<hbm>>)
      tpu.yield
    }) : () -> ()
    "tpu.region"() ({
      %run_scoped3A = tpu.sem_alloc : memref<!tpu.dma_semaphore, #tpu.memory_space<semaphore_mem>>
      %dma_start3A = tpu.memref_slice %arg5[%arg0, %mul3A_22] : memref<2x51200xf32, #tpu.memory_space<hbm>> -> memref<1x3200xf32, #tpu.memory_space<hbm>>
      %dma_start3A_40 = tpu.memref_squeeze %dma_start3A : memref<1x3200xf32, #tpu.memory_space<hbm>> -> memref<3200xf32, #tpu.memory_space<hbm>>
      %dma_start3A_41 = tpu.memref_slice %arg13[%mul3A_22] : memref<51200xf32, #tpu.memory_space<vmem_shared>> -> memref<3200xf32, #tpu.memory_space<vmem_shared>>
      tpu.enqueue_dma source(%dma_start3A_41 : memref<3200xf32, #tpu.memory_space<vmem_shared>>) target(%dma_start3A_40 : memref<3200xf32, #tpu.memory_space<hbm>>) target_semaphore(%run_scoped3A : memref<!tpu.dma_semaphore, #tpu.memory_space<semaphore_mem>>)
      %dma_wait3A = tpu.memref_slice %arg5[%arg0, %mul3A_22] : memref<2x51200xf32, #tpu.memory_space<hbm>> -> memref<1x3200xf32, #tpu.memory_space<hbm>>
      %dma_wait3A_42 = tpu.memref_squeeze %dma_wait3A : memref<1x3200xf32, #tpu.memory_space<hbm>> -> memref<3200xf32, #tpu.memory_space<hbm>>
      %dma_wait3A_43 = tpu.memref_slice %arg13[%mul3A_22] : memref<51200xf32, #tpu.memory_space<vmem_shared>> -> memref<3200xf32, #tpu.memory_space<vmem_shared>>
      tpu.wait_dma2 semaphore(%run_scoped3A : memref<!tpu.dma_semaphore, #tpu.memory_space<semaphore_mem>>) src(%dma_wait3A_43 : memref<3200xf32, #tpu.memory_space<vmem_shared>>) dst(%dma_wait3A_42 : memref<3200xf32, #tpu.memory_space<hbm>>)
      tpu.yield
    }) : () -> ()
    return
  }
}

module attributes {stable_mosaic.version = 14 : i64} {
  func.func @_tc_pre_body(%arg0: i32, %arg1: memref<1024x64xf32, #tpu.memory_space<vmem>>, %arg2: memref<1024x1xi32, #tpu.memory_space<vmem>>, %arg3: memref<1024x16xf32, #tpu.memory_space<vmem>>, %arg4: memref<100x64xf32, #tpu.memory_space<vmem>>, %arg5: memref<64x64xf32, #tpu.memory_space<vmem>>, %arg6: memref<1x64xf32, #tpu.memory_space<vmem>>, %arg7: memref<64x64xf32, #tpu.memory_space<vmem>>, %arg8: memref<1x64xf32, #tpu.memory_space<vmem>>, %arg9: memref<16x32xf32, #tpu.memory_space<vmem>>, %arg10: memref<1x32xf32, #tpu.memory_space<vmem>>, %arg11: memref<1024x64xf32, #tpu.memory_space<vmem>>) attributes {dimension_semantics = [#tpu.dimension_semantics<arbitrary>], iteration_bounds = array<i64: 49>, scalar_prefetch = 0 : i64, scratch_operands = 0 : i64, tpu.core_type = #tpu.core_type<tc>, window_params = [{transform_indices = @transform_0, window_bounds = array<i64: 1024, 64>}, {transform_indices = @transform_1, window_bounds = array<i64: 1024, 1>}, {transform_indices = @transform_2, window_bounds = array<i64: 1024, 16>}, {pipeline_mode = #tpu.pipeline_mode<synchronous>, transform_indices = @transform_3, window_bounds = array<i64: 100, 64>}, {pipeline_mode = #tpu.pipeline_mode<synchronous>, transform_indices = @transform_4, window_bounds = array<i64: 64, 64>}, {pipeline_mode = #tpu.pipeline_mode<synchronous>, transform_indices = @transform_5, window_bounds = array<i64: 1, 64>}, {pipeline_mode = #tpu.pipeline_mode<synchronous>, transform_indices = @transform_6, window_bounds = array<i64: 64, 64>}, {pipeline_mode = #tpu.pipeline_mode<synchronous>, transform_indices = @transform_7, window_bounds = array<i64: 1, 64>}, {pipeline_mode = #tpu.pipeline_mode<synchronous>, transform_indices = @transform_8, window_bounds = array<i64: 16, 32>}, {pipeline_mode = #tpu.pipeline_mode<synchronous>, transform_indices = @transform_9, window_bounds = array<i64: 1, 32>}, {transform_indices = @transform_10, window_bounds = array<i64: 1024, 64>}]} {
    %get3A = arith.constant 0 : index
    %get3A_0 = arith.constant 0 : index
    %get3A_1 = vector.load %arg4[%get3A, %get3A_0] : memref<100x64xf32, #tpu.memory_space<vmem>>, vector<100x64xf32>
    %get3A_2 = arith.constant 0 : index
    %get3A_3 = arith.constant 0 : index
    %get3A_4 = vector.load %arg5[%get3A_2, %get3A_3] : memref<64x64xf32, #tpu.memory_space<vmem>>, vector<64x64xf32>
    %dot_general3A = arith.constant dense<0.000000e+00> : vector<100x64xf32>
    %dot_general3A_5 = tpu.matmul %get3A_1, %get3A_4, %dot_general3A {dimension_numbers = #tpu.dot_dimension_numbers<[1], [0], [0], [1], [0, 0, 1, 1], [], []>, transpose_lhs_hint = false} : vector<100x64xf32>, vector<64x64xf32>, vector<100x64xf32> -> vector<100x64xf32>
    %get3A_6 = arith.constant 0 : index
    %get3A_7 = arith.constant 0 : index
    %get3A_8 = vector.load %arg6[%get3A_6, %get3A_7] : memref<1x64xf32, #tpu.memory_space<vmem>>, vector<1x64xf32>
    %add3A = vector.broadcast %get3A_8 : vector<1x64xf32> to vector<100x64xf32>
    %add3A_9 = arith.addf %dot_general3A_5, %add3A : vector<100x64xf32>
    %get3A_10 = arith.constant 0 : index
    %get3A_11 = arith.constant 0 : index
    %get3A_12 = vector.load %arg2[%get3A_10, %get3A_11] : memref<1024x1xi32, #tpu.memory_space<vmem>>, vector<1024x1xi32>
    %iota3A = tpu.iota {dimensions = array<i32: 1>} : vector<1024x100xi32>
    %eq3A = vector.broadcast %get3A_12 : vector<1024x1xi32> to vector<1024x100xi32>
    %eq3A_13 = arith.cmpi eq, %eq3A, %iota3A : vector<1024x100xi32>
    %convert_element_type3A = arith.extui %eq3A_13 : vector<1024x100xi1> to vector<1024x100xi32>
    %convert_element_type3A_14 = arith.sitofp %convert_element_type3A : vector<1024x100xi32> to vector<1024x100xf32>
    %dot_general3A_15 = arith.constant dense<0.000000e+00> : vector<1024x64xf32>
    %dot_general3A_16 = tpu.matmul %convert_element_type3A_14, %add3A_9, %dot_general3A_15 {dimension_numbers = #tpu.dot_dimension_numbers<[1], [0], [0], [1], [0, 0, 1, 1], [], []>, transpose_lhs_hint = false} : vector<1024x100xf32>, vector<100x64xf32>, vector<1024x64xf32> -> vector<1024x64xf32>
    %max3A = arith.constant 0.000000e+00 : f32
    %max3A_17 = vector.broadcast %max3A : f32 to vector<1024x64xf32>
    %max3A_18 = arith.maximumf %dot_general3A_16, %max3A_17 : vector<1024x64xf32>
    %get3A_19 = arith.constant 0 : index
    %get3A_20 = arith.constant 0 : index
    %get3A_21 = vector.load %arg1[%get3A_19, %get3A_20] : memref<1024x64xf32, #tpu.memory_space<vmem>>, vector<1024x64xf32>
    %add3A_22 = arith.addf %get3A_21, %max3A_18 : vector<1024x64xf32>
    %get3A_23 = arith.constant 0 : index
    %get3A_24 = arith.constant 0 : index
    %get3A_25 = vector.load %arg7[%get3A_23, %get3A_24] : memref<64x64xf32, #tpu.memory_space<vmem>>, vector<64x64xf32>
    %dot_general3A_26 = arith.constant dense<0.000000e+00> : vector<1024x64xf32>
    %dot_general3A_27 = tpu.matmul %add3A_22, %get3A_25, %dot_general3A_26 {dimension_numbers = #tpu.dot_dimension_numbers<[1], [0], [0], [1], [0, 0, 1, 1], [], []>, transpose_lhs_hint = false} : vector<1024x64xf32>, vector<64x64xf32>, vector<1024x64xf32> -> vector<1024x64xf32>
    %get3A_28 = arith.constant 0 : index
    %get3A_29 = arith.constant 0 : index
    %get3A_30 = vector.load %arg8[%get3A_28, %get3A_29] : memref<1x64xf32, #tpu.memory_space<vmem>>, vector<1x64xf32>
    %add3A_31 = vector.broadcast %get3A_30 : vector<1x64xf32> to vector<1024x64xf32>
    %add3A_32 = arith.addf %dot_general3A_27, %add3A_31 : vector<1024x64xf32>
    %get3A_33 = arith.constant 0 : index
    %get3A_34 = arith.constant 0 : index
    %get3A_35 = vector.load %arg3[%get3A_33, %get3A_34] : memref<1024x16xf32, #tpu.memory_space<vmem>>, vector<1024x16xf32>
    %ne3A = arith.cmpf one, %get3A_35, %get3A_35 : vector<1024x16xf32>
    %jit3A = arith.constant 0.000000e+00 : f32
    %broadcast_in_dim3A = vector.broadcast %jit3A : f32 to vector<1024x16xf32>
    %select_n3A = arith.select %ne3A, %broadcast_in_dim3A, %get3A_35 : vector<1024x16xi1>, vector<1024x16xf32>
    %get3A_36 = arith.constant 0 : index
    %get3A_37 = arith.constant 0 : index
    %get3A_38 = vector.load %arg9[%get3A_36, %get3A_37] : memref<16x32xf32, #tpu.memory_space<vmem>>, vector<16x32xf32>
    %dot_general3A_39 = arith.constant dense<0.000000e+00> : vector<1024x32xf32>
    %dot_general3A_40 = tpu.matmul %select_n3A, %get3A_38, %dot_general3A_39 {dimension_numbers = #tpu.dot_dimension_numbers<[1], [0], [0], [1], [0, 0, 1, 1], [], []>, transpose_lhs_hint = false} : vector<1024x16xf32>, vector<16x32xf32>, vector<1024x32xf32> -> vector<1024x32xf32>
    %get3A_41 = arith.constant 0 : index
    %get3A_42 = arith.constant 0 : index
    %get3A_43 = vector.load %arg10[%get3A_41, %get3A_42] : memref<1x32xf32, #tpu.memory_space<vmem>>, vector<1x32xf32>
    %add3A_44 = vector.broadcast %get3A_43 : vector<1x32xf32> to vector<1024x32xf32>
    %add3A_45 = arith.addf %dot_general3A_40, %add3A_44 : vector<1024x32xf32>
    %broadcast_in_dim3A_46 = arith.constant 0.000000e+00 : f32
    %broadcast_in_dim3A_47 = vector.broadcast %broadcast_in_dim3A_46 : f32 to vector<1024x32xf32>
    %concatenate3A = tpu.concatenate %broadcast_in_dim3A_47, %add3A_45 in 1 : vector<1024x32xf32>, vector<1024x32xf32> -> vector<1024x64xf32>
    %add3A_48 = arith.addf %add3A_32, %concatenate3A : vector<1024x64xf32>
    %swap3A = arith.constant 0 : index
    %swap3A_49 = arith.constant 0 : index
    %swap3A_50 = vector.load %arg11[%swap3A, %swap3A_49] : memref<1024x64xf32, #tpu.memory_space<vmem>>, vector<1024x64xf32>
    tpu.vector_store %arg11[%swap3A, %swap3A_49], %add3A_48 {strides = array<i32>} : memref<1024x64xf32, #tpu.memory_space<vmem>>, vector<1024x64xf32>,
    return
  }
  func.func @transform_0(%arg0: i32) -> (i32, i32) {
    %c0_i32 = arith.constant 0 : i32
    %c0_i32_0 = arith.constant 0 : i32
    return %arg0, %c0_i32 : i32, i32
  }
  func.func @transform_1(%arg0: i32) -> (i32, i32) {
    %c0_i32 = arith.constant 0 : i32
    %c0_i32_0 = arith.constant 0 : i32
    return %arg0, %c0_i32 : i32, i32
  }
  func.func @transform_2(%arg0: i32) -> (i32, i32) {
    %c0_i32 = arith.constant 0 : i32
    %c0_i32_0 = arith.constant 0 : i32
    return %arg0, %c0_i32 : i32, i32
  }
  func.func @transform_3(%arg0: i32) -> (i32, i32) {
    %c0_i32 = arith.constant 0 : i32
    %c0_i32_0 = arith.constant 0 : i32
    %c0_i32_1 = arith.constant 0 : i32
    return %c0_i32, %c0_i32_0 : i32, i32
  }
  func.func @transform_4(%arg0: i32) -> (i32, i32) {
    %c0_i32 = arith.constant 0 : i32
    %c0_i32_0 = arith.constant 0 : i32
    %c0_i32_1 = arith.constant 0 : i32
    return %c0_i32, %c0_i32_0 : i32, i32
  }
  func.func @transform_5(%arg0: i32) -> (i32, i32) {
    %c0_i32 = arith.constant 0 : i32
    %c0_i32_0 = arith.constant 0 : i32
    %c0_i32_1 = arith.constant 0 : i32
    return %c0_i32, %c0_i32_0 : i32, i32
  }
  func.func @transform_6(%arg0: i32) -> (i32, i32) {
    %c0_i32 = arith.constant 0 : i32
    %c0_i32_0 = arith.constant 0 : i32
    %c0_i32_1 = arith.constant 0 : i32
    return %c0_i32, %c0_i32_0 : i32, i32
  }
  func.func @transform_7(%arg0: i32) -> (i32, i32) {
    %c0_i32 = arith.constant 0 : i32
    %c0_i32_0 = arith.constant 0 : i32
    %c0_i32_1 = arith.constant 0 : i32
    return %c0_i32, %c0_i32_0 : i32, i32
  }
  func.func @transform_8(%arg0: i32) -> (i32, i32) {
    %c0_i32 = arith.constant 0 : i32
    %c0_i32_0 = arith.constant 0 : i32
    %c0_i32_1 = arith.constant 0 : i32
    return %c0_i32, %c0_i32_0 : i32, i32
  }
  func.func @transform_9(%arg0: i32) -> (i32, i32) {
    %c0_i32 = arith.constant 0 : i32
    %c0_i32_0 = arith.constant 0 : i32
    %c0_i32_1 = arith.constant 0 : i32
    return %c0_i32, %c0_i32_0 : i32, i32
  }
  func.func @transform_10(%arg0: i32) -> (i32, i32) {
    %c0_i32 = arith.constant 0 : i32
    %c0_i32_0 = arith.constant 0 : i32
    return %arg0, %c0_i32 : i32, i32
  }
}

module attributes {stable_mosaic.version = 14 : i64} {
  func.func @_tc_post_body(%arg0: i32, %arg1: memref<1024x64xf32, #tpu.memory_space<vmem>>, %arg2: memref<1x1024x16xf32, #tpu.memory_space<vmem>>, %arg3: memref<1x1024x16xf32, #tpu.memory_space<vmem>>, %arg4: memref<1024x2xf32, #tpu.memory_space<vmem>>, %arg5: memref<16x32xf32, #tpu.memory_space<vmem>>, %arg6: memref<1x32xf32, #tpu.memory_space<vmem>>, %arg7: memref<1024x64xf32, #tpu.memory_space<vmem>>) attributes {dimension_semantics = [#tpu.dimension_semantics<arbitrary>], iteration_bounds = array<i64: 49>, scalar_prefetch = 0 : i64, scratch_operands = 0 : i64, tpu.core_type = #tpu.core_type<tc>, window_params = [{transform_indices = @transform_0, window_bounds = array<i64: 1024, 64>}, {transform_indices = @transform_1, window_bounds = array<i64: 1, 1024, 16>}, {transform_indices = @transform_2, window_bounds = array<i64: 1, 1024, 16>}, {transform_indices = @transform_3, window_bounds = array<i64: 1024, 2>}, {pipeline_mode = #tpu.pipeline_mode<synchronous>, transform_indices = @transform_4, window_bounds = array<i64: 16, 32>}, {pipeline_mode = #tpu.pipeline_mode<synchronous>, transform_indices = @transform_5, window_bounds = array<i64: 1, 32>}, {transform_indices = @transform_6, window_bounds = array<i64: 1024, 64>}]} {
    %get3A = arith.constant 0 : index
    %get3A_0 = arith.constant 0 : index
    %get3A_1 = arith.constant 0 : index
    %get3A_2 = vector.load %arg2[%get3A, %get3A_0, %get3A_1] : memref<1x1024x16xf32, #tpu.memory_space<vmem>>, vector<1x1024x16xf32>
    %get3A_3 = vector.shape_cast %get3A_2 : vector<1x1024x16xf32> to vector<1024x16xf32>
    %get3A_4 = arith.constant 0 : index
    %get3A_5 = arith.constant 0 : index
    %get3A_6 = arith.constant 0 : index
    %get3A_7 = vector.load %arg3[%get3A_4, %get3A_5, %get3A_6] : memref<1x1024x16xf32, #tpu.memory_space<vmem>>, vector<1x1024x16xf32>
    %get3A_8 = vector.shape_cast %get3A_7 : vector<1x1024x16xf32> to vector<1024x16xf32>
    %add3A = arith.addf %get3A_3, %get3A_8 : vector<1024x16xf32>
    %get3A_9 = arith.constant 0 : index
    %get3A_10 = arith.constant 0 : index
    %get3A_11 = vector.load %arg4[%get3A_9, %get3A_10] : memref<1024x2xf32, #tpu.memory_space<vmem>>, vector<1024x2xf32>
    %reduce_sum3A = arith.constant dense<0.000000e+00> : vector<1024xf32>
    %reduce_sum3A_12 = vector.multi_reduction <add>, %get3A_11, %reduce_sum3A [1] : vector<1024x2xf32> to vector<1024xf32>
    %broadcast_in_dim3A = vector.shape_cast %reduce_sum3A_12 : vector<1024xf32> to vector<1024x1xf32>
    %max3A = arith.constant 1.000000e+00 : f32
    %max3A_13 = vector.broadcast %max3A : f32 to vector<1024x1xf32>
    %max3A_14 = arith.maximumf %broadcast_in_dim3A, %max3A_13 : vector<1024x1xf32>
    %div3A = vector.broadcast %max3A_14 : vector<1024x1xf32> to vector<1024x16xf32>
    %div3A_15 = arith.divf %add3A, %div3A : vector<1024x16xf32>
    %get3A_16 = arith.constant 0 : index
    %get3A_17 = arith.constant 0 : index
    %get3A_18 = vector.load %arg5[%get3A_16, %get3A_17] : memref<16x32xf32, #tpu.memory_space<vmem>>, vector<16x32xf32>
    %dot_general3A = arith.constant dense<0.000000e+00> : vector<1024x32xf32>
    %dot_general3A_19 = tpu.matmul %div3A_15, %get3A_18, %dot_general3A {dimension_numbers = #tpu.dot_dimension_numbers<[1], [0], [0], [1], [0, 0, 1, 1], [], []>, transpose_lhs_hint = false} : vector<1024x16xf32>, vector<16x32xf32>, vector<1024x32xf32> -> vector<1024x32xf32>
    %gt3A = arith.constant 0.000000e+00 : f32
    %gt3A_20 = vector.broadcast %gt3A : f32 to vector<1024x1xf32>
    %gt3A_21 = arith.cmpf ogt, %broadcast_in_dim3A, %gt3A_20 : vector<1024x1xf32>
    %jit3A = arith.constant 1.000000e+00 : f32
    %jit3A_22 = arith.constant 0.000000e+00 : f32
    %broadcast_in_dim3A_23 = vector.broadcast %jit3A : f32 to vector<1024x1xf32>
    %broadcast_in_dim3A_24 = vector.broadcast %jit3A_22 : f32 to vector<1024x1xf32>
    %select_n3A = arith.select %gt3A_21, %broadcast_in_dim3A_23, %broadcast_in_dim3A_24 : vector<1024x1xi1>, vector<1024x1xf32>
    %get3A_25 = arith.constant 0 : index
    %get3A_26 = arith.constant 0 : index
    %get3A_27 = vector.load %arg6[%get3A_25, %get3A_26] : memref<1x32xf32, #tpu.memory_space<vmem>>, vector<1x32xf32>
    %mul3A = vector.broadcast %select_n3A : vector<1024x1xf32> to vector<1024x32xf32>
    %mul3A_28 = vector.broadcast %get3A_27 : vector<1x32xf32> to vector<1024x32xf32>
    %mul3A_29 = arith.mulf %mul3A, %mul3A_28 : vector<1024x32xf32>
    %add3A_30 = arith.addf %dot_general3A_19, %mul3A_29 : vector<1024x32xf32>
    %get3A_31 = arith.constant 0 : index
    %get3A_32 = arith.constant 0 : index
    %get3A_33 = vector.load %arg1[%get3A_31, %get3A_32] : memref<1024x64xf32, #tpu.memory_space<vmem>>, vector<1024x64xf32>
    %broadcast_in_dim3A_34 = arith.constant 0.000000e+00 : f32
    %broadcast_in_dim3A_35 = vector.broadcast %broadcast_in_dim3A_34 : f32 to vector<1024x32xf32>
    %concatenate3A = tpu.concatenate %add3A_30, %broadcast_in_dim3A_35 in 1 : vector<1024x32xf32>, vector<1024x32xf32> -> vector<1024x64xf32>
    %add3A_36 = arith.addf %get3A_33, %concatenate3A : vector<1024x64xf32>
    %swap3A = arith.constant 0 : index
    %swap3A_37 = arith.constant 0 : index
    %swap3A_38 = vector.load %arg7[%swap3A, %swap3A_37] : memref<1024x64xf32, #tpu.memory_space<vmem>>, vector<1024x64xf32>
    tpu.vector_store %arg7[%swap3A, %swap3A_37], %add3A_36 {strides = array<i32>} : memref<1024x64xf32, #tpu.memory_space<vmem>>, vector<1024x64xf32>,
    return
  }
  func.func @transform_0(%arg0: i32) -> (i32, i32) {
    %c0_i32 = arith.constant 0 : i32
    %c0_i32_0 = arith.constant 0 : i32
    return %arg0, %c0_i32 : i32, i32
  }
  func.func @transform_1(%arg0: i32) -> (i32, i32, i32) {
    %c0_i32 = arith.constant 0 : i32
    %c0_i32_0 = arith.constant 0 : i32
    %c0_i32_1 = arith.constant 0 : i32
    return %c0_i32, %arg0, %c0_i32_0 : i32, i32, i32
  }
  func.func @transform_2(%arg0: i32) -> (i32, i32, i32) {
    %c1_i32 = arith.constant 1 : i32
    %c0_i32 = arith.constant 0 : i32
    %c0_i32_0 = arith.constant 0 : i32
    return %c1_i32, %arg0, %c0_i32 : i32, i32, i32
  }
  func.func @transform_3(%arg0: i32) -> (i32, i32) {
    %c0_i32 = arith.constant 0 : i32
    %c0_i32_0 = arith.constant 0 : i32
    return %arg0, %c0_i32 : i32, i32
  }
  func.func @transform_4(%arg0: i32) -> (i32, i32) {
    %c0_i32 = arith.constant 0 : i32
    %c0_i32_0 = arith.constant 0 : i32
    %c0_i32_1 = arith.constant 0 : i32
    return %c0_i32, %c0_i32_0 : i32, i32
  }
  func.func @transform_5(%arg0: i32) -> (i32, i32) {
    %c0_i32 = arith.constant 0 : i32
    %c0_i32_0 = arith.constant 0 : i32
    %c0_i32_1 = arith.constant 0 : i32
    return %c0_i32, %c0_i32_0 : i32, i32
  }
  func.func @transform_6(%arg0: i32) -> (i32, i32) {
    %c0_i32 = arith.constant 0 : i32
    %c0_i32_0 = arith.constant 0 : i32
    return %arg0, %c0_i32 : i32, i32
  }
}

</mosaic_0001>

<sc_bundles>
// kernel: kernel.5.cloned.1.call-start
scs
__scs_entry_jumppad:
0x0: {  	(pc) =	sbr.rel $0x88, $3  }
0x1: {  	(tag) =	ssettag $0x0;
	lr =	simm.s32 $0x1  }
0x2: {  	[smem:$0x3F93] =	sst lr;
	_ =	strace $0xD0000000  }
0x3: {  	_ = 	snop  }
0x4: {  	_ = 	snop  }
0x5: {  	_ = 	snop  }
0x6: {  	_ = 	snop  }
0x7: {  	_ = 	snop  }
__scs_overlays_trampoline_lowered:
0x8: {  	[smem:$0x3FA2] =	sst s0  }
0x9: {  	[smem:$0x3FA3] =	sst s1  }
0xa: {  	[smem:$0x3FA4] =	sst s2  }
0xb: {  	[smem:$0x3FA5] =	sst s3  }
0xc: {  	[smem:$0x3FA6] =	sst s4  }
0xd: {  	[smem:$0x3FA7] =	sst s5  }
0xe: {  	[smem:$0x3FA8] =	sst s6  }
0xf: {  	[smem:$0x3FA9] =	sst s7  }
0x10: {  	[smem:$0x3FAA] =	sst s8  }
0x11: {  	[smem:$0x3FAB] =	sst s9;
	s0 =	simm.s32 @!p0 $0x0  }
0x12: {  	s1 =	sld [smem:$0x3F91];
	s0 =	simm.s32 @p0 $0x1  }
0x13: {  	[smem:$0x3FAC] =	sst s0;
	s0 =	simm.s32 @!p1 $0x0  }
0x14: {  	s2 =	sld [smem:$0x3F90];
	s0 =	simm.s32 @p1 $0x1  }
0x15: {  	[smem:$0x3FAD] =	sst s0;
	s0 =	simm.s32 @!p2 $0x0  }
0x16: {  	s3 =	sld [smem:$0x3FDB];
	s0 =	simm.s32 @p2 $0x1  }
0x17: {  	s4 =	simm.s32 $0x1BF5;
	[smem:$0x3FAF] =	sst s0  }
0x18: {  	s0 =	sld [smem:$0x3F92];
	_ =	swait.ge [sflag:s4], $0x0  }
0x19: {  	s7 =	sld [smem:$0x3F93]  }
0x1a: {  	s8 =	sadd.s32 $0xFFFFE003, lr  }
0x1b: {  	s9 =	sadd.s32 $0xFFFFFEF7, lr;
	s5 =	simm.s32 $0xFFFFFFFF;
	p2 =	slt.u32 s8, $0xFFFFF086  }
0x1c: {  	p1 =	slt.u32 s9, $0xF7A;
	s5 =	simm.s32 @!p2 $0x0  }
0x1d: {  	s5 =	simm.s32 @p1 $0x1;
	p0 =	seq.s32 s7, s2  }
0x1e: {  	s7 =	smul.u32 @!p0 $0xF7A, s2;
	p2 =	seq.s32 @!p0 s5, $0x0  }
0x1f: {  	s9 =	smul.u32 $0xF7A, s1;
	s8 =	simm.s32 @!p0 $0x1BF5;
	p2 =	por !p2, p0  }
0x20: {  	[sflag:s8] =	ssyncset.s32 @!p0 $0xFFFFF086;
	s6 =	sadd.s32 @!p0 s3, s7;
	s7 =	simm.s32 @!p0 $0x108  }
0x21: {  	s3 =	sadd.s32 s3, s9;
	s6 =	sadd.s32 @!p0 $0x88, s6;
	s7 =	simm.s32 @p2 $0x1082  }
0x22: {  	[simem:s7], [sflag:s8] =	dma.local @!p0 [hbm:s6], $0xF7A  }
0x23: {  	s9 =	sor.u32 $0xD0000000, s2;
	s6 =	simm.s32 $0x108;
	_ =	swait.ge @!p0 [sflag:s8], $0x0  }
0x24: {  	s3 =	sadd.s32 $0x88, s3;
	s6 =	simm.s32 @!p1 $0x1082;
	[sflag:s4] =	ssyncset.s32 $0xFFFFF086  }
0x25: {  	[simem:s6], [sflag:s4] =	dma.local [hbm:s3], $0xF7A  }
0x26: {  	[smem:$0x3F93] =	sst s1;
	(tag) =	ssettag s2;
	_ =	strace s9  }
0x27: {  	s1 =	sld [smem:$0x3FA3]  }
0x28: {  	s2 =	sld [smem:$0x3FA4]  }
0x29: {  	s4 =	sld [smem:$0x3FA6]  }
0x2a: {  	p0 =	seq.s32 s5, $0x0;
	s5 =	sld [smem:$0x3FA7]  }
0x2b: {  	s6 =	sld [smem:$0x3FA8]  }
0x2c: {  	s7 =	sld [smem:$0x3FA9]  }
0x2d: {  	s3 =	simm.s32 $0x108;
	s8 =	sld [smem:$0x3FAA]  }
0x2e: {  	s3 =	simm.s32 @!p0 $0x1082;
	s9 =	sld [smem:$0x3FAB]  }
0x2f: {  	lr =	sadd.s32 s0, s3;
	s0 =	sld [smem:$0x3FA2]  }
0x30: {  	s3 =	sld [smem:$0x3FA5]  }
0x31: {  	[smem:$0x3FAE] =	sst s10  }
0x32: {  	s10 =	sld [smem:$0x3FAC];
	_ =	sdelay $0x3  }
0x33: {  	p0 =	seq.s32 s10, $0x1;
	s10 =	sld [smem:$0x3FAE];
	_ =	sdelay $0x3  }
0x34: {  	[smem:$0x3FAE] =	sst s10  }
0x35: {  	s10 =	sld [smem:$0x3FAD];
	_ =	sdelay $0x3  }
0x36: {  	p1 =	seq.s32 s10, $0x1;
	s10 =	sld [smem:$0x3FAE];
	_ =	sdelay $0x3  }
0x37: {  	[smem:$0x3FAE] =	sst s10  }
0x38: {  	s10 =	sld [smem:$0x3FAF]  }
0x39: {  	_ = 	snop;
	(pc) =	sbr.ind lr, $3  }
0x3a: {  	_ = 	snop  }
0x3b: {  	_ = 	snop  }
0x3c: {  	p2 =	seq.s32 s10, $0x1;
	s10 =	sld [smem:$0x3FAE]  }
0x3d: {  	_ =	shalt  }
0x3e: {  	_ =	shalt  }
0x3f: {  	_ =	shalt  }
0x40: {  	_ =	shalt  }
0x41: {  	_ =	shalt  }
0x42: {  	_ =	shalt  }
0x43: {  	_ =	shalt  }
0x44: {  	_ =	shalt  }
0x45: {  	_ =	shalt  }
0x46: {  	_ =	shalt  }
0x47: {  	_ =	shalt  }
0x48: {  	_ =	shalt  }
0x49: {  	_ =	shalt  }
0x4a: {  	_ =	shalt  }
0x4b: {  	_ =	shalt  }
0x4c: {  	_ =	shalt  }
0x4d: {  	_ =	shalt  }
0x4e: {  	_ =	shalt  }
0x4f: {  	_ =	shalt  }
0x50: {  	_ =	shalt  }
0x51: {  	_ =	shalt  }
0x52: {  	_ =	shalt  }
0x53: {  	_ =	shalt  }
0x54: {  	_ =	shalt  }
0x55: {  	_ =	shalt  }
0x56: {  	_ =	shalt  }
0x57: {  	_ =	shalt  }
0x58: {  	_ =	shalt  }
0x59: {  	_ =	shalt  }
0x5a: {  	_ =	shalt  }
0x5b: {  	_ =	shalt  }
0x5c: {  	_ =	shalt  }
0x5d: {  	_ =	shalt  }
0x5e: {  	_ =	shalt  }
0x5f: {  	_ =	shalt  }
0x60: {  	_ =	shalt  }
0x61: {  	_ =	shalt  }
0x62: {  	_ =	shalt  }
0x63: {  	_ =	shalt  }
0x64: {  	_ =	shalt  }
0x65: {  	_ =	shalt  }
0x66: {  	_ =	shalt  }
0x67: {  	_ =	shalt  }
0x68: {  	_ =	shalt  }
0x69: {  	_ =	shalt  }
0x6a: {  	_ =	shalt  }
0x6b: {  	_ =	shalt  }
0x6c: {  	_ =	shalt  }
0x6d: {  	_ =	shalt  }
0x6e: {  	_ =	shalt  }
0x6f: {  	_ =	shalt  }
0x70: {  	_ =	shalt  }
0x71: {  	_ =	shalt  }
0x72: {  	_ =	shalt  }
0x73: {  	_ =	shalt  }
0x74: {  	_ =	shalt  }
0x75: {  	_ =	shalt  }
0x76: {  	_ =	shalt  }
0x77: {  	_ =	shalt  }
0x78: {  	_ =	shalt  }
0x79: {  	_ =	shalt  }
0x7a: {  	_ =	shalt  }
0x7b: {  	_ =	shalt  }
0x7c: {  	_ =	shalt  }
0x7d: {  	_ =	shalt  }
0x7e: {  	_ =	shalt  }
0x7f: {  	_ =	shalt  }
0x80: {  	_ =	shalt  }
0x81: {  	_ =	shalt  }
0x82: {  	_ =	shalt  }
0x83: {  	_ =	shalt  }
0x84: {  	_ =	shalt  }
0x85: {  	_ =	shalt  }
0x86: {  	_ =	shalt  }
0x87: {  	_ =	shalt  }
.Lfunc_end0:
.L_simem_size_0:
called_computation_lowered:
.L_overlay_start_0:
0x88: {  	s2 =	sld [smem:$0x3FD9]  }
0x89: {  	s3 =	sld [smem:$0x3FFE];
	_ =	sdelay $0x1  }
0x8a: {  	s1 =	srdreg.scid  }
0x8b: {  	s0 =	sand.u32 $0x1, s1  }
0x8c: {  	s17 =	sshll.u32 s0, $0xA;
	s2 =	sadd.s32 s3, s2  }
0x8d: {  	s2 =	sadd.s32 s2, s17  }
0x8e: {  	[smem:$0x3FBA] =	sst s2  }
0x8f: {  	_ = 	snop  }
0x90: {  	s2 =	sld [smem:$0x3FD0];
	(tm) =	ssettm $0x1  }
0x91: {  	s18 =	sld [smem:$0x3FFB];
	_ =	sdelay $0x3  }
0x92: {  	_ =	strace s18  }
0x93: {  	s3 =	sld [smem:$0x3FFC];
	_ =	sdelay $0x3  }
0x94: {  	_ =	strace s3  }
0x95: {  	s3 =	sld [smem:$0x3FFD];
	_ =	sdelay $0x3  }
0x96: {  	_ =	strace s3  }
0x97: {  	_ =	strace $0x8FFFFFFF  }
0x98: {  	s19 =	sld [smem:$0x3FDB];
	_ =	sdelay $0x1  }
0x99: {  	s4 =	simm.s32 $_scs_section_size  }
0x9a: {  	s5 =	simm.s32 $_size__tile_overlayer_lowered;
	s6 =	simm.s32 $_tile_overlayer_lowered  }
0x9b: {  	s22 =	simm.s32 $0x1BFF;
	s21 =	sshll.u32 s6, $0x1;
	s3 =	sadd.s32 s4, s19  }
0x9c: {  	s7 =	simm.s32 $0x0;
	s20 =	sshll.u32 s5, $0x1;
	s5 =	sadd.s32 s21, s3  }
0x9d: {  	[timem:s7], [sflag:s22] =	dma.local [hbm:s5], s20  }
0x9e: {  	_ =	swait.ge [sflag:s22], s20  }
0x9f: {  	s4 =	ssub.s32 $0x0, s20;
	[sflag:s22] =	ssyncset.done $0x0  }
0xa0: {  	[sflag:s22] =	ssyncadd.s32 s4;
	_ =	sdelay $0x1  }
0xa1: {  	s23 =	simm.s32 $0x1B8B  }
0xa2: {  	_ =	swait.ge [sflag:s23], $0x1  }
0xa3: {  	[sflag:s23] =	ssyncset.done $0x0  }
0xa4: {  	s25 =	simm.s32 $0x1B8E;
	s24 =	sld [smem:$0x3FFE];
	[sflag:s23] =	ssyncadd.s32 $0xFFFFFFFF  }
0xa5: {  	s26 =	simm.s32 $execute0_lowered;
	[smem:$0x3FD2] =	sst s25  }
0xa6: {  	s5 =	sshll.u32 s26, $0x1;
	_ =	strace $0x80000046;
	[dreg:$0x1] =	wrdreg $0xFFFFFFFF  }
0xa7: {  	s28 =	simm.s32 $_size_execute0_lowered;
	s3 =	sadd.s32 s3, s5;
	[dreg:$0x0] =	wrdreg $0x0  }
0xa8: {  	s5 =	sshll.u32 s28, $0x1;
	[dreg:$0x2] =	wrdreg s3  }
0xa9: {  	[dreg:$0x3] =	wrdreg s5  }
0xaa: {  	[dreg:$0x4] =	wrdreg $0xC0  }
0xab: {  	_ =	task [dreg:s7], $0x5FFFF  }
0xac: {  	[dreg:$0x1] =	wrdreg $0xFFFFFFFF  }
0xad: {  	[dreg:$0x0] =	wrdreg $0x60  }
0xae: {  	[dreg:$0x2] =	wrdreg s24  }
0xaf: {  	[dreg:$0x3] =	wrdreg s2  }
0xb0: {  	[dreg:$0x4] =	wrdreg $0xB1400  }
0xb1: {  	[dreg:$0x5] =	wrdreg $0x179400  }
0xb2: {  	[dreg:$0x6] =	wrdreg $0x9  }
0xb3: {  	_ =	task.clear_ibuf [dreg:s7], $0x7FFFF;
	_ =	strace $0x90000046  }
0xb4: {  	s29 =	simm.s32 $0x9;
	_ =	strace $0x80000048  }
0xb5: {  	_ =	swait.ge [sflag:s29], $0x1  }
0xb6: {  	[sflag:s29] =	ssyncadd.s32 $0xFFFFFFFF  }
0xb7: {  	_ =	strace $0x90000048  }
0xb8: {  	_ =	sfence  }
0xb9: {  	s30 =	sld [smem:$0x0];
	_ =	sdelay $0x2  }
0xba: {  	s31 =	sshll.u32 s1, $0xD;
	s1 =	sshrl.u32 s1, $0x2  }
0xbb: {  	s3 =	sand.u32 $0x4000, s31;
	s1 =	sadd.s32 s1, s30  }
0xbc: {  	s0 =	sor.u32 s3, s0;
	s1 =	sshll.u32 s1, $0x11  }
0xbd: {  	s0 =	sor.u32 s1, s0  }
0xbe: {  	s0 =	sadd.s32 $0x8F2B, s0  }
0xbf: {  	[sflag:s0] =	ssyncadd.remote.s32 $0x1  }
0xc0: {  	_ =	sfence.sel $0xFFFF  }
0xc1: {  	[dreg:$0x0] =	wrdreg $0xFFFFFFFF;
	(pc) =	sbr.abs _section_cstart, $3  }
0xc2: {  	[dreg:$0x1] =	wrdreg $0xFFFFFFFF  }
0xc3: {  	_ =	task.clear_ibuf [dreg:s7], $0x2FFFF;
	_ =	strace $0x9FFFFFFF  }
0xc4: {  	(tm) =	ssettm $0x7FFFFFFF  }
0xc5: {  	_ =	shalt  }
tec
execute0_lowered:
.L_overlay_start_1:
0x0: {  	(tag) =	ssettag $0x1  }
0x1: {  	s0 =	rddreg [dreg:$0x0]  }
0x2: {  	s1 =	rddreg [dreg:$0x1]  }
0x3: {  	s2 =	rddreg [dreg:$0x2]  }
0x4: {  	s3 =	rddreg [dreg:$0x3];
	s4 =	srdreg.scid  }
0x5: {  	s14 =	stileid.u32;
	s16 =	simm.s32 $0x0;
	s15 =	simm.s32 $0x4  }
0x6: {  	s17 =	simm.s32 $0x7D;
	s19 =	simm.s32 $0x80;
	s20 =	simm.s32 $0x6BD0  }
0x7: {  	s21 =	simm.s32 $0x100;
	s22 =	simm.s32 $0x73A0;
	s23 =	simm.s32 $0x180  }
0x8: {  	s24 =	simm.s32 $0x7B70;
	s28 =	simm.s32 $0x8340;
	s29 =	simm.s32 $0x280  }
0x9: {  	s30 =	simm.s32 $0x8B10;
	s31 =	simm.s32 $0x300;
	s7 =	smul.u32 $0xC80, s14  }
0xa: {  	s4 =	sand.u32 $0x1, s4;
	[smem:$0x7FF] =	sst s16;
	s9 =	smul.u32 $0x32000, s14  }
0xb: {  	s5 =	sadd.s32 $0x3800, s0;
	s6 =	sadd.s32 $0x18A200, s0;
	s13 =	smul.u32 $0xC800, s14  }
0xc: {  	s8 =	smul.u32 $0xC800, s4;
	_ =	strace $0x80000047;
	s10 =	ssub.s32 $0x2, s4  }
0xd: {  	s11 =	smul.u32 $0xC8000, s4;
	s4 =	sshll.u32 s4, $0x4;
	s12 =	sshrl.u32 s10, $0x1  }
0xe: {  	s4 =	sor.u32 s14, s4;
	s9 =	sshrl.u32 s9, $0x2;
	s18 =	sadd.s32 s7, s3  }
0xf: {  	s14 =	simm.s32 $0xA300;
	s8 =	sadd.s32 s7, s8;
	s12 =	ssub.s32 s10, s12  }
0x10: {  	s10 =	sadd.s32 s13, s11;
	s11 =	sadd.s32 $0x640, s18;
	[dreg:$0x6] =	wrdreg s18  }
0x11: {  	s13 =	sadd.s32 s13, s2;
	s8 =	sshrl.u32 s8, $0x3;
	[dreg:$0x7] =	wrdreg s11  }
0x12: {  	s7 =	sshrl.u32 s10, $0x3;
	s10 =	smul.u32 $0xC800, s4;
	s25 =	smax.u32 s12, $0x1  }
0x13: {  	s26 =	sshrl.u32 s13, $0x3;
	s11 =	simm.s32 $0x2;
	s12 =	simm.s32 $0x3  }
0x14: {  	s0 =	sadd.s32 s8, s0;
	s8 =	sadd.s32 s9, s2;
	[dreg:$0xa] =	wrdreg s25  }
0x15: {  	s1 =	sadd.s32 s1, s7;
	[dreg:$0xb] =	wrdreg s26;
	s26 =	simm.s32 $0x200  }
0x16: {  	s9 =	simm.s32 $0xA280;
	[dreg:$0x8] =	wrdreg s1;
	s0 =	sadd.s32 $0x67800, s0  }
0x17: {  	v0 =	vimm.f32 $0.0e+00;
	v1 =	vimm.f32 $1.000000000e+00;
	s1 =	simm.s32 $0x1;
	[dreg:$0x9] =	wrdreg s0;
	s0 =	simm.s32 $0x92E0  }
.LBB2_1:
0x18: {  	s4 =	simm.s32 $0x0  }
.LBB2_2:
0x19: {  	p0 =	sne.s32 s4, $0x1FC0  }
.Ltmp0:
0x1a: {  	_ = 	snop;
	(pc) =	sbr.rel @p0 .LBB2_2-.Ltmp0, $3  }
0x1b: {  	_ =	sdelay $0x1  }
0x1c: {  	s7 =	sshra.s32 s4, $0x2  }
0x1d: {  	s4 =	sadd.s32 $0x40, s4;
	[tilespmem:s7+$0xA300] =	vst v0  }
0x1e: {  	s4 =	simm.s32 $0x40;
	s7 =	simm.s32 $0x0  }
.LBB2_4:
0x1f: {  	p0 =	sne.s32 s4, $0x18C0;
	[tilespmem:s7+$0xAB00] =	vst v0;
	s7 =	smov.u32 s4;
	s4 =	sadd.s32 $0x40, s4  }
.Ltmp1:
0x20: {  	(pc) =	sbr.rel @p0 .LBB2_4-.Ltmp1, $2  }
0x21: {  	_ =	sdelay $0x2  }
0x22: {  	s7 =	sshra.s32 s7, $0x2  }
0x23: {  	[tilespmem:s7+$0xAB00] =	vst v0  }
0x24: {  	[tilespmem:$0xA280] =	vst v1  }
0x25: {  	[tilespmem:$0xA290] =	vst v1  }
0x26: {  	[tilespmem:$0xA2A0] =	vst v1  }
0x27: {  	[tilespmem:$0xA2B0] =	vst v1  }
0x28: {  	[tilespmem:$0xA2C0] =	vst v1  }
0x29: {  	[tilespmem:$0xA2D0] =	vst v1  }
0x2a: {  	[tilespmem:$0xA2E0] =	vst v1  }
0x2b: {  	[dreg:$0x5] =	wrdreg s16;
	s4 =	sadd.s32 $0x0, s8;
	[tilespmem:$0xA2F0] =	vst v1  }
0x2c: {  	[spmem:s4] =	stream.linear.scatter [tilespmem:s14], [sflag:$0x4], $0x800, $0x38;
	[tilespmem:$0x185C0] =	vst v63  }
0x2d: {  	s4 =	simm.s32 $0x2000;
	_ =	swait.ge [sflag:s15], $0x800  }
.LBB2_6:
0x2e: {  	s7 =	sshra.s32 s4, $0x2;
	[sflag:s15] =	ssyncset.done $0x0;
	p0 =	sne.s32 s4, $0x30000  }
.Ltmp2:
0x2f: {  	s7 =	sadd.s32 s7, s8;
	[sflag:s15] =	ssyncadd.s32 $0xFFFFF800;
	(pc) =	sbr.rel @p0 .LBB2_6-.Ltmp2, $3  }
0x30: {  	[spmem:s7] =	stream.linear.scatter [tilespmem:s14], [sflag:$0x4], $0x800, $0x38;
	[tilespmem:$0x185C0] =	vst v63  }
0x31: {  	s4 =	sadd.s32 $0x2000, s4;
	_ =	sdelay $0x1  }
0x32: {  	_ =	swait.ge [sflag:s15], $0x800  }
0x33: {  	[sflag:s15] =	ssyncset.done $0x0  }
0x34: {  	s7 =	simm.s32 $0xAB00;
	[sflag:s15] =	ssyncadd.s32 $0xFFFFF800  }
0x35: {  	[spmem:s18] =	stream.linear.scatter [tilespmem:s7], [sflag:$0x4], $0x640, $0x38;
	[tilespmem:$0x185C0] =	vst v63  }
0x36: {  	_ =	swait.ge [sflag:s15], $0x640  }
0x37: {  	[sflag:s15] =	ssyncset.done $0x0  }
0x38: {  	s4 =	rddreg [dreg:$0x7];
	[sflag:s15] =	ssyncadd.s32 $0xFFFFF9C0  }
0x39: {  	[spmem:s4] =	stream.linear.scatter [tilespmem:s7], [sflag:$0x4], $0x640, $0x38;
	[tilespmem:$0x185C0] =	vst v63  }
0x3a: {  	_ =	swait.ge [sflag:s15], $0x640  }
0x3b: {  	[sflag:s15] =	ssyncset.done $0x0  }
0x3c: {  	[sflag:s15] =	ssyncadd.s32 $0xFFFFF9C0  }
0x3d: {  	s16 =	simm.s32 $0x0;
	s13 =	simm.s32 $0x0;
	[bflag:$0x0] =	sbarrier.arrive $0xFFFF  }
.LBB2_8:
0x3e: {  	s4 =	smul.u32 $0x3200, s13;
	_ =	sdelay $0x1  }
0x3f: {  	s4 =	sadd.s32 s10, s4  }
0x40: {  	s4 =	sshrl.u32 s4, $0x3  }
0x41: {  	s4 =	sadd.s32 s5, s4  }
0x42: {  	[tilespmem:s16], [sflag:$0x4] =	stream.linear.gather [hbm4b:s4+s16], $0x3200, $0x38;
	[tilespmem:$0x185C0] =	vst v63  }
0x43: {  	_ =	swait.ge [sflag:s15], $0x3200  }
0x44: {  	[sflag:s15] =	ssyncset.done $0x0  }
0x45: {  	s25 =	simm.s32 $0x3200;
	s4 =	sadd.s32 $0x32000, s4;
	[sflag:s15] =	ssyncadd.s32 $0xFFFFCE00  }
0x46: {  	[tilespmem:s25], [sflag:$0x4] =	stream.linear.gather [hbm4b:s4+s16], $0x3200, $0x38;
	[tilespmem:$0x185C0] =	vst v63  }
0x47: {  	_ =	swait.ge [sflag:s15], $0x3200  }
0x48: {  	[sflag:s15] =	ssyncset.done $0x0  }
0x49: {  	s18 =	simm.s32 $0x6400;
	[sflag:s15] =	ssyncadd.s32 $0xFFFFCE00  }
0x4a: {  	[tilespmem:s18], [sflag:$0x1] =	stream.indirect.gather [hbm4b:s6+s17], $0x10, s16, s17, $0xb8;
	[tilespmem:$0x185C0] =	vst v63  }
0x4b: {  	_ = 	snop  }
0x4c: {  	[tilespmem:s20], [sflag:$0x1] =	stream.indirect.gather [hbm4b:s6+s17], $0x10, s19, s17, $0xb8;
	[tilespmem:$0x185C0] =	vst v63  }
0x4d: {  	_ = 	snop  }
0x4e: {  	[tilespmem:s22], [sflag:$0x1] =	stream.indirect.gather [hbm4b:s6+s17], $0x10, s21, s17, $0xb8;
	[tilespmem:$0x185C0] =	vst v63  }
0x4f: {  	_ = 	snop  }
0x50: {  	[tilespmem:s24], [sflag:$0x1] =	stream.indirect.gather [hbm4b:s6+s17], $0x10, s23, s17, $0xb8;
	[tilespmem:$0x185C0] =	vst v63  }
0x51: {  	_ = 	snop  }
0x52: {  	[tilespmem:s28], [sflag:$0x1] =	stream.indirect.gather [hbm4b:s6+s17], $0x10, s26, s17, $0xb8;
	[tilespmem:$0x185C0] =	vst v63  }
0x53: {  	_ = 	snop  }
0x54: {  	[tilespmem:s30], [sflag:$0x1] =	stream.indirect.gather [hbm4b:s6+s17], $0x10, s29, s17, $0xb8;
	[tilespmem:$0x185C0] =	vst v63  }
0x55: {  	s7 =	simm.s32 $0x380;
	s4 =	simm.s32 $0x0  }
0x56: {  	[tilespmem:s0], [sflag:$0x1] =	stream.indirect.gather [hbm4b:s6+s17], $0x10, s31, s17, $0xb8;
	[tilespmem:$0x185C0] =	vst v63  }
.LBB2_9:
0x57: {  	s18 =	sand.u32 $0x7, s4  }
0x58: {  	s18 =	smul.u32 $0x1F40, s18  }
0x59: {  	_ =	swait.ge [sflag:s1], $0x7D0  }
0x5a: {  	[sflag:s1] =	ssyncset.done $0x0;
	s18 =	sshrl.u32 s18, $0x2  }
0x5b: {  	p0 =	slt.u32 s4, $0x5;
	[sflag:s1] =	ssyncadd.s32 $0xFFFFF830;
	s18 =	sadd.s32 $0x6400, s18  }
0x5c: {  	[spmem:s2] =	stream.indirect.scatter.add.f32 [tilespmem:s18], [sflag:$0x2], $0x10, s25, s17, $0xb8;
	[tilespmem:$0x185C0] =	vst v63  }
0x5d: {  	s18 =	simm.s32 @!p0 $0x2  }
0x5e: {  	[spmem:s3] =	stream.indirect.scatter.add.f32 [tilespmem:s9], [sflag:$0x3], $0x1, s25, s17, $0xb8;
	[tilespmem:$0x185C0] =	vst v63  }
0x5f: {  	_ =	swait.ge @!p0 [sflag:s18], $0x7D0  }
0x60: {  	[sflag:s18] =	ssyncset.done @!p0 $0x0  }
0x61: {  	[sflag:s18] =	ssyncadd.s32 @!p0 $0xFFFFF830;
	s18 =	simm.s32 @!p0 $0x3  }
0x62: {  	p1 =	sgt.u32 @!p0 s4, $0x5C;
	_ =	swait.ge @!p0 [sflag:s18], $0x7D  }
0x63: {  	p1 =	por p0, !p1;
	[sflag:s18] =	ssyncset.done @!p0 $0x0  }
0x64: {  	[sflag:s18] =	ssyncadd.s32 @!p0 $0xFFFFFF83;
	s18 =	sadd.s32 @p1 $0xFFFFFFFF, s4  }
0x65: {  	s4 =	sadd.s32 $0x1, s4;
	s18 =	sand.u32 @p1 $0x7, s18  }
0x66: {  	p0 =	sne.s32 s4, $0x64;
	s18 =	smul.u32 @p1 $0x1F40, s18  }
.Ltmp3:
0x67: {  	_ = 	snop;
	(pc) =	sbr.rel @p0 .LBB2_9-.Ltmp3, $4  }
0x68: {  	s18 =	sshrl.u32 @p1 s18, $0x2  }
0x69: {  	s18 =	sadd.s32 @p1 $0x6400, s18  }
0x6a: {  	[tilespmem:s18], [sflag:$0x1] =	stream.indirect.gather @p1 [hbm4b:s6+s17], $0x10, s7, s17, $0xb8;
	[tilespmem:$0x185C0] =	vst v63  }
0x6b: {  	s25 =	sadd.s32 $0x80, s25;
	s7 =	sadd.s32 $0x80, s7  }
0x6c: {  	_ =	swait.ge [sflag:s11], $0x7D0  }
0x6d: {  	[sflag:s11] =	ssyncset.done $0x0  }
0x6e: {  	[sflag:s11] =	ssyncadd.s32 $0xFFFFF830  }
0x6f: {  	_ =	swait.ge [sflag:s12], $0x7D  }
0x70: {  	[sflag:s12] =	ssyncset.done $0x0  }
0x71: {  	[sflag:s12] =	ssyncadd.s32 $0xFFFFFF83  }
0x72: {  	_ =	swait.ge [sflag:s11], $0x7D0  }
0x73: {  	[sflag:s11] =	ssyncset.done $0x0  }
0x74: {  	[sflag:s11] =	ssyncadd.s32 $0xFFFFF830  }
0x75: {  	_ =	swait.ge [sflag:s12], $0x7D  }
0x76: {  	[sflag:s12] =	ssyncset.done $0x0  }
0x77: {  	[sflag:s12] =	ssyncadd.s32 $0xFFFFFF83  }
0x78: {  	_ =	swait.ge [sflag:s11], $0x7D0  }
0x79: {  	[sflag:s11] =	ssyncset.done $0x0  }
0x7a: {  	[sflag:s11] =	ssyncadd.s32 $0xFFFFF830  }
0x7b: {  	_ =	swait.ge [sflag:s12], $0x7D  }
0x7c: {  	[sflag:s12] =	ssyncset.done $0x0  }
0x7d: {  	[sflag:s12] =	ssyncadd.s32 $0xFFFFFF83  }
0x7e: {  	_ =	swait.ge [sflag:s11], $0x7D0  }
0x7f: {  	[sflag:s11] =	ssyncset.done $0x0  }
0x80: {  	[sflag:s11] =	ssyncadd.s32 $0xFFFFF830  }
0x81: {  	_ =	swait.ge [sflag:s12], $0x7D  }
0x82: {  	[sflag:s12] =	ssyncset.done $0x0  }
0x83: {  	s13 =	sadd.s32 $0x1, s13;
	[sflag:s12] =	ssyncadd.s32 $0xFFFFFF83  }
0x84: {  	p0 =	sne.s32 s13, $0x4;
	_ =	swait.ge [sflag:s11], $0x7D0  }
.Ltmp4:
0x85: {  	[sflag:s11] =	ssyncset.done $0x0;
	(pc) =	sbr.rel @p0 .LBB2_8-.Ltmp4, $4  }
0x86: {  	[sflag:s11] =	ssyncadd.s32 $0xFFFFF830  }
0x87: {  	_ =	swait.ge [sflag:s12], $0x7D  }
0x88: {  	[sflag:s12] =	ssyncset.done $0x0  }
0x89: {  	[sflag:s12] =	ssyncadd.s32 $0xFFFFFF83  }
0x8a: {  	s4 =	stileid.u32;
	[bflag:$0x0] =	sbarrier.arrive $0xFFFF  }
0x8b: {  	s4 =	sshll.u32 s4, $0x6;
	s7 =	rddreg [dreg:$0x8]  }
0x8c: {  	s13 =	rddreg [dreg:$0xb];
	s4 =	sor.u32 $0x1C04, s4  }
0x8d: {  	[hbm:s7], [sflag:s4] =	dma.local [spmem:s13], $0x1900  }
0x8e: {  	_ =	swait.ge [sflag:s15], $0x1900  }
0x8f: {  	[sflag:s15] =	ssyncset.done $0x0;
	s18 =	rddreg [dreg:$0x6]  }
0x90: {  	s16 =	rddreg [dreg:$0x9];
	[sflag:s15] =	ssyncadd.s32 $0xFFFFE700;
	s13 =	sshrl.u32 s18, $0x3  }
0x91: {  	[hbm:s16], [sflag:s4] =	dma.local [spmem:s13], $0x190  }
0x92: {  	_ =	swait.ge [sflag:s15], $0x190  }
0x93: {  	s16 =	rddreg [dreg:$0x5]  }
0x94: {  	s25 =	rddreg [dreg:$0xa];
	s16 =	sadd.s32 $0x1, s16  }
0x95: {  	p0 =	sne.s32 s16, s25  }
.Ltmp5:
0x96: {  	_ = 	snop;
	(pc) =	sbr.rel @p0 .LBB2_1-.Ltmp5, $3  }
0x97: {  	_ =	sdelay $0x1  }
0x98: {  	[sflag:s15] =	ssyncset.done $0x0  }
0x99: {  	[sflag:s15] =	ssyncadd.s32 $0xFFFFFE70  }
0x9a: {  	_ =	sfence.sel $0x180000  }
0x9b: {  	[bflag:$0x0] =	sbarrier.arrive $0xFFFF  }
0x9c: {  	_ =	strace $0x90000047  }
0x9d: {  	s0 =	stileid.u32;
	[bflag:$0x2] =	sbarrier.arrive $0xFFFF  }
0x9e: {  	p0 =	sne.s32 s0, $0x0;
	s0 =	rddreg [dreg:$0x4]  }
0x9f: {  	s0 =	sadd.s32 @!p0 $0x100000, s0  }
0xa0: {  	[sflag:s0] =	ssyncadd.tile.s32 @!p0 $0x1;
	_ =	shalt  }
.Lfunc_end2:
_tile_overlayer_lowered:
.L_overlay_start_2:
0xa1: {  	(tag) =	ssettag $0x2  }
0xa2: {  	s0 =	rddreg [dreg:$0x0];
	s2 =	stileid.u32  }
0xa3: {  	s1 =	rddreg [dreg:$0x1];
	p0 =	sne.s32 s2, $0x0  }
0xa4: {  	s3 =	rddreg [dreg:$0x2];
	[bflag:$0x3] =	sbarrier.arrive $0xFFFF;
	s2 =	simm.s32 @!p0 $0x1C04  }
0xa5: {  	[timem:s3], [sflag:s2] =	dma.local @!p0 [hbm:s0], s1  }
0xa6: {  	s0 =	simm.s32 @!p0 $0x4  }
0xa7: {  	_ =	swait.ge @!p0 [sflag:s0], s1  }
0xa8: {  	s1 =	ssub.s32 @!p0 $0x0, s1;
	[sflag:s0] =	ssyncset.done @!p0 $0x0  }
0xa9: {  	[sflag:s0] =	ssyncadd.s32 @!p0 s1  }
0xaa: {  	[bflag:$0x3] =	sbarrier.arrive $0xFFFF  }
0xab: {  	_ =	shalt  }

</sc_bundles>
